<compile_context>
chip_gen: v7x
topology: tpu7x:2x2x1
jax: 0.10.2.dev20260603
libtpu: 0.0.44.dev20260713+nightly
codegen_flags: <defaults>
</compile_context>

<pallas_src>
import functools

import jax
import jax.numpy as jnp
from jax import lax
from jax.experimental import pallas as pl
from jax.experimental.pallas import tpu as pltpu
from jax.experimental.pallas import tpu_sc as plsc

NC = 2
NS = 16
NW = NC * NS
IDX_CHUNK = 128
LANES = 16
WIN = 2944



def _stream_body(eht_hbm, ents_hbm, out_hbm, ent_v, win_v, soa_v):
  n_ent = ent_v.shape[0]
  dim, n_table = eht_hbm.shape
  pad_minor = ((n_table + 127) // 128) * 128
  cb_max = (pad_minor - WIN) // 128
  wid = lax.axis_index("s") * NC + lax.axis_index("c")
  pltpu.sync_copy(ents_hbm.at[wid], ent_v)

  iota = lax.iota(jnp.int32, LANES)
  zeros = jnp.zeros((LANES,), jnp.int32)

  def group(g, cb):
    evec = ent_v[pl.ds(g * LANES, LANES)]
    for j in range(LANES):
      e = evec[j]
      trig = (e - cb * 128) >= WIN
      newcb = jnp.minimum(lax.shift_right_logical(e, 7), cb_max)
      cb = jnp.where(trig, newcb, cb)

      @pl.when(trig)
      def _():
        off = pl.multiple_of(cb * 128, 128)
        pltpu.sync_copy(eht_hbm.at[:, pl.ds(off, WIN)], win_v)

      col = zeros + (e - cb * 128)
      k = zeros + (g * LANES + j)
      lo = plsc.load_gather(win_v, [iota, col])
      hi = plsc.load_gather(win_v, [iota + LANES, col])
      plsc.store_scatter(soa_v, [iota, k], lo)
      plsc.store_scatter(soa_v, [iota + LANES, k], hi)
    return cb

  lax.fori_loop(0, n_ent // LANES, group, jnp.int32(-(2 ** 20)))
  pltpu.sync_copy(soa_v, out_hbm.at[:, pl.ds(wid * n_ent, n_ent)])


@jax.jit
def _sc_stream_gather(EhT, ents2):
  nw, n_ent = ents2.shape
  dim = EhT.shape[0]
  mesh = plsc.VectorSubcoreMesh(core_axis_name="c", subcore_axis_name="s")
  run = pl.kernel(
      _stream_body,
      mesh=mesh,
      compiler_params=pltpu.CompilerParams(use_tc_tiling_on_sc=True,
                                           needs_layout_passes=False,
                                           disable_bounds_checks=True),
      out_type=[jax.ShapeDtypeStruct((dim, nw * n_ent), jnp.float32)],
      scratch_types=[
          pltpu.VMEM((n_ent,), jnp.int32),
          pltpu.VMEM((dim, WIN), jnp.float32),
          pltpu.VMEM((dim, n_ent), jnp.float32),
      ],
  )
  return run(EhT, ents2)



def _gather_body(order_hbm, ridx_hbm, uhi_hbm, vhi_hbm,
                 ulo_hbm, vlo_hbm, uv_hbm, rvh_hbm, wu_hbm,
                 bs_hbm, bo_hbm,
                 uv_out, ru_out, rv_out, bsg_out, bog_out,
                 order_v, ridx_v, uhi_v, vhi_v, ulo_v, vlo_v,
                 uv_rows, ru_v, rv_v, bsr_v, bor_v, bsg_v, bog_v, sem):
  n_chunks = ridx_v.shape[0]
  bpw = n_chunks * IDX_CHUNK
  uv_chunks = order_v.shape[0]
  upw = uv_chunks * IDX_CHUNK
  wid = lax.axis_index("s") * NC + lax.axis_index("c")
  base = wid * bpw

  pltpu.sync_copy(order_hbm.at[wid], order_v)
  pltpu.sync_copy(ridx_hbm.at[wid], ridx_v)
  pltpu.sync_copy(uhi_hbm.at[wid], uhi_v)
  pltpu.sync_copy(vhi_hbm.at[wid], vhi_v)
  pltpu.sync_copy(ulo_hbm.at[wid], ulo_v)
  pltpu.sync_copy(vlo_hbm.at[wid], vlo_v)
  pltpu.sync_copy(uv_hbm.at[pl.ds(wid * upw, upw)], uv_rows)

  copies = []
  for c in range(uv_chunks):
    rows = pl.ds(c * IDX_CHUNK, IDX_CHUNK)
    copies.append(pltpu.async_copy(uv_rows.at[rows],
                                   uv_out.at[order_v.at[c]], sem))
  for c in range(n_chunks):
    rows = pl.ds(c * IDX_CHUNK, IDX_CHUNK)
    copies.append(pltpu.async_copy(wu_hbm.at[ridx_v.at[c]], ru_v.at[rows], sem))
    copies.append(pltpu.async_copy(rvh_hbm.at[ridx_v.at[c]], rv_v.at[rows], sem))
    copies.append(pltpu.async_copy(bs_hbm.at[uhi_v.at[c]], bsr_v.at[rows], sem))
    copies.append(pltpu.async_copy(bo_hbm.at[vhi_v.at[c]], bor_v.at[rows], sem))
  for cp in copies:
    cp.wait()

  for g in range(bpw // LANES):
    row_ids = g * LANES + lax.iota(jnp.int32, LANES)
    c = (g * LANES) // IDX_CHUNK
    o = (g * LANES) % IDX_CHUNK
    ucol = ulo_v[c, pl.ds(o, LANES)]
    vcol = vlo_v[c, pl.ds(o, LANES)]
    bsg_v[pl.ds(g * LANES, LANES)] = plsc.load_gather(bsr_v, [row_ids, ucol])
    bog_v[pl.ds(g * LANES, LANES)] = plsc.load_gather(bor_v, [row_ids, vcol])

  out_rows = pl.ds(base, bpw)
  pltpu.sync_copy(ru_v, ru_out.at[out_rows])
  pltpu.sync_copy(rv_v, rv_out.at[out_rows])
  pltpu.sync_copy(bsg_v, bsg_out.at[out_rows])
  pltpu.sync_copy(bog_v, bog_out.at[out_rows])


@jax.jit
def _sc_gather(order3, r_idx3, u_hi3, v_hi3, u_lo3, v_lo3,
               uv2, rvh, Wu, bs16, bo16):
  nw, n_chunks, _ = r_idx3.shape
  uv_chunks = order3.shape[1]
  bpw = n_chunks * IDX_CHUNK
  upw = uv_chunks * IDX_CHUNK
  b = nw * bpw
  dim = uv2.shape[1]
  f32 = jnp.float32
  i32 = jnp.int32
  mesh = plsc.VectorSubcoreMesh(core_axis_name="c", subcore_axis_name="s")
  idx_t = pltpu.VMEM((n_chunks, IDX_CHUNK), i32)
  run = pl.kernel(
      _gather_body,
      mesh=mesh,
      compiler_params=pltpu.CompilerParams(use_tc_tiling_on_sc=False,
                                           needs_layout_passes=False),
      out_type=[
          jax.ShapeDtypeStruct((2 * b, dim), f32),
          jax.ShapeDtypeStruct((b, dim), f32),
          jax.ShapeDtypeStruct((b, dim), f32),
          jax.ShapeDtypeStruct((b,), f32),
          jax.ShapeDtypeStruct((b,), f32),
      ],
      scratch_types=[
          pltpu.VMEM((uv_chunks, IDX_CHUNK), i32),
          idx_t, idx_t, idx_t, idx_t, idx_t,
          pltpu.VMEM((upw, dim), f32),
          pltpu.VMEM((bpw, dim), f32),
          pltpu.VMEM((bpw, dim), f32),
          pltpu.VMEM((bpw, LANES), f32),
          pltpu.VMEM((bpw, LANES), f32),
          pltpu.VMEM((bpw,), f32),
          pltpu.VMEM((bpw,), f32),
          pltpu.SemaphoreType.DMA,
      ],
  )
  return run(order3, r_idx3, u_hi3, v_hi3, u_lo3, v_lo3,
             uv2, rvh, Wu, bs16, bo16)



def _artanh(x):
  return 0.5 * jnp.log((1 + x) / (1 - x))


def _sqnorm(x):
  return jnp.sum(x * x, axis=0, keepdims=True)


def _norm(x):
  return jnp.sqrt(_sqnorm(x))


def _proj(t, eps=1e-5):
  nrm = _norm(t)
  msk = (nrm >= 1).astype(t.dtype)
  return t / (nrm - eps) * msk + t * (1 - msk)


def _p_sum(x, y):
  sqxnorm = jnp.clip(_sqnorm(x), 0.0, 1 - 1e-5)
  sqynorm = jnp.clip(_sqnorm(y), 0.0, 1 - 1e-5)
  dotxy = jnp.sum(x * y, axis=0, keepdims=True)
  numerator = (1 + 2 * dotxy + sqynorm) * x + (1 - sqxnorm) * y
  denominator = 1 + 2 * dotxy + sqxnorm * sqynorm
  return numerator / denominator


def _math_body(u_ref, v_ref, ru_ref, rv_ref, bs_ref, bo_ref, out_ref):
  u = _proj(u_ref[...].T)
  v = _proj(v_ref[...].T)
  rvh_g = _proj(rv_ref[...].T)
  Ru = ru_ref[...].T

  normu = jnp.clip(_norm(u), 1e-10, 1 - 1e-5)
  u_e = _artanh(normu) * u / normu
  u_W = u_e * Ru
  normw = jnp.clip(_norm(u_W), 1e-10, None)
  u_m = jnp.tanh(normw) * u_W / normw
  v_m = _p_sum(v, rvh_g)
  u_m = _proj(u_m)
  v_m = _proj(v_m)
  d = _p_sum(-u_m, v_m)
  nrm = jnp.clip(jnp.sqrt(jnp.sum(d * d, axis=0)), 1e-10, 1 - 1e-5)
  sqdist = (2.0 * _artanh(nrm)) ** 2
  out_ref[...] = -sqdist + bs_ref[...][:, 0] + bo_ref[...][:, 0]


@jax.jit
def _tc_math(u, v, ru, rv, bsg, bog):
  b, dim = u.shape
  blk = 2048
  grid = (b // blk,)
  row_spec = pl.BlockSpec((blk, dim), lambda i: (i, 0))
  one_spec = pl.BlockSpec((blk, 1), lambda i: (i, 0))
  return pl.pallas_call(
      _math_body,
      grid=grid,
      in_specs=[row_spec, row_spec, row_spec, row_spec, one_spec, one_spec],
      out_specs=pl.BlockSpec((blk,), lambda i: (i,)),
      out_shape=jax.ShapeDtypeStruct((b,), jnp.float32),
  )(u, v, ru, rv, bsg, bog)


def kernel(u_idx, r_idx, v_idx, Eh, rvh, Wu, bs, bo):
  b = u_idx.shape[0]
  n_chunks = b // (NW * IDX_CHUNK)
  shape3 = (NW, n_chunks, IDX_CHUNK)
  u_idx = u_idx.astype(jnp.int32)
  r_idx = r_idx.astype(jnp.int32)
  v_idx = v_idx.astype(jnp.int32)

  ent = jnp.concatenate([u_idx, v_idx])
  ents_sorted, order = jax.lax.sort(
      (ent, jnp.arange(2 * b, dtype=jnp.int32)), num_keys=1, is_stable=False)
  order3 = order.reshape(NW, 2 * n_chunks, IDX_CHUNK)
  ents2 = ents_sorted.reshape(NW, (2 * b) // NW)

  EhT = jnp.swapaxes(Eh, 0, 1)
  uv_sorted = _sc_stream_gather(EhT, ents2)[0]
  uv2 = jnp.swapaxes(uv_sorted, 0, 1)

  r_idx3 = r_idx.reshape(shape3)
  u_hi3 = (u_idx >> 4).reshape(shape3)
  v_hi3 = (v_idx >> 4).reshape(shape3)
  u_lo3 = (u_idx & (LANES - 1)).reshape(shape3)
  v_lo3 = (v_idx & (LANES - 1)).reshape(shape3)
  bs16 = bs.reshape(-1, LANES)
  bo16 = bo.reshape(-1, LANES)
  uv_unperm, ru, rv, bsg, bog = _sc_gather(order3, r_idx3,
                                           u_hi3, v_hi3, u_lo3, v_lo3,
                                           uv2, rvh, Wu, bs16, bo16)
  u = uv_unperm[:b]
  v = uv_unperm[b:]
  return _tc_math(u, v, ru, rv, bsg[:, None], bog[:, None])

# --- scband reference (transcript-rebuilt; emitter-appended) ---
"""Pipeline reference for scband-mu-rp-3118146257368 (READ-ONLY COPY).

The authoritative reference and input builder live on the scoring server;
editing this copy changes nothing except your own understanding.
"""

import jax, jax.numpy as jnp
import numpy as np

NUM_ENT = 1000000
NUM_REL = 1000
DIM = 32
B = 16384


def artanh(x):
    return 0.5 * jnp.log((1 + x) / (1 - x))


def p_exp_map(v):
    normv = jnp.clip(jnp.linalg.norm(v, axis=-1, keepdims=True), 1e-10, None)
    return jnp.tanh(normv) * v / normv


def p_log_map(v):
    normv = jnp.clip(jnp.linalg.norm(v, axis=-1, keepdims=True), 1e-10, 1 - 1e-5)
    return artanh(normv) * v / normv


def p_sum(x, y):
    sqxnorm = jnp.clip(jnp.sum(x * x, axis=-1, keepdims=True), 0.0, 1 - 1e-5)
    sqynorm = jnp.clip(jnp.sum(y * y, axis=-1, keepdims=True), 0.0, 1 - 1e-5)
    dotxy = jnp.sum(x * y, axis=-1, keepdims=True)
    numerator = (1 + 2 * dotxy + sqynorm) * x + (1 - sqxnorm) * y
    denominator = 1 + 2 * dotxy + sqxnorm * sqynorm
    return numerator / denominator


def _proj(t, eps=1e-5):
    nrm = jnp.linalg.norm(t, axis=-1, keepdims=True)
    msk = (nrm >= 1).astype(t.dtype)
    return t / (nrm - eps) * msk + t * (1 - msk)


def setup_inputs(seed: int = 0) -> dict:
    key = jax.random.key(seed)
    ks = jax.random.split(key, 6)
    u_idx = jax.random.randint(ks[0], (B,), 0, NUM_ENT, dtype=jnp.int64 if jax.config.jax_enable_x64 else jnp.int32)
    r_idx = jax.random.randint(ks[1], (B,), 0, NUM_REL, dtype=u_idx.dtype)
    v_idx = jax.random.randint(ks[2], (B,), 0, NUM_ENT, dtype=u_idx.dtype)
    Eh = 0.001 * jax.random.normal(ks[3], (NUM_ENT, DIM), dtype=jnp.float32)
    rvh = 0.001 * jax.random.normal(ks[4], (NUM_REL, DIM), dtype=jnp.float32)
    Wu = jax.random.uniform(ks[5], (NUM_REL, DIM), minval=-1.0, maxval=1.0, dtype=jnp.float32)
    bs = jnp.zeros((NUM_ENT,), jnp.float32)
    bo = jnp.zeros((NUM_ENT,), jnp.float32)
    return {"u_idx": u_idx, "r_idx": r_idx, "v_idx": v_idx, "Eh": Eh, "rvh": rvh, "Wu": Wu, "bs": bs, "bo": bo}


def reference(u_idx, r_idx, v_idx, Eh, rvh, Wu, bs, bo):
    u = jnp.take(Eh, u_idx, axis=0)
    v = jnp.take(Eh, v_idx, axis=0)
    Ru = jnp.take(Wu, r_idx, axis=0)
    rvh_g = jnp.take(rvh, r_idx, axis=0)
    u = _proj(u)
    v = _proj(v)
    rvh_g = _proj(rvh_g)
    u_e = p_log_map(u)
    u_W = u_e * Ru
    u_m = p_exp_map(u_W)
    v_m = p_sum(v, rvh_g)
    u_m = _proj(u_m)
    v_m = _proj(v_m)
    sqdist = (2.0 * artanh(jnp.clip(jnp.linalg.norm(p_sum(-u_m, v_m), axis=-1), 1e-10, 1 - 1e-5))) ** 2
    return -sqdist + jnp.take(bs, u_idx) + jnp.take(bo, v_idx)

if __name__ == "__main__":
    import jax
    _d = setup_inputs()
    print(jax.jit(kernel)(*tuple(_d.values())))

</pallas_src>

<mosaic_0001>
#map = affine_map<(d0, d1) -> (0, 0)>
module attributes {stable_mosaic.version = 14 : i64} {
  func.func @_stream_body(%arg0: i32, %arg1: i32, %arg2: memref<32x1000000xf32, #tpu.memory_space<hbm>>, %arg3: memref<32x1024xi32, #tpu.memory_space<hbm>>, %arg4: memref<32x32768xf32, #tpu.memory_space<hbm>>, %arg5: memref<1024xi32, #tpu.memory_space<vmem>>, %arg6: memref<32x2944xf32, #tpu.memory_space<vmem>>, %arg7: memref<32x1024xf32, #tpu.memory_space<vmem>>) attributes {dimension_semantics = [#tpu.dimension_semantics<core_parallel>, #tpu.dimension_semantics<subcore_parallel>], iteration_bounds = array<i64: 2, 16>, scalar_prefetch = 0 : i64, scratch_operands = 3 : i64, tpu.core_type = #tpu.core_type<sc_vector_subcore>, window_params = [{transform_indices = #map}, {transform_indices = #map}, {transform_indices = #map}]} {
    %mul3A = arith.constant 2 : i32
    %mul3A_0 = arith.muli %arg1, %mul3A : i32
    %add3A = arith.addi %mul3A_0, %arg0 : i32
    "tpu.region"() ({
      %run_scoped3A = tpu.sem_alloc : memref<!tpu.dma_semaphore, #tpu.memory_space<semaphore_mem>>
      %dma_start3A = arith.constant 0 : i32
      %dma_start3A_10 = tpu.memref_slice %arg3[%add3A, %dma_start3A] : memref<32x1024xi32, #tpu.memory_space<hbm>> -> memref<1x1024xi32, #tpu.memory_space<hbm>>
      %dma_start3A_11 = tpu.memref_squeeze %dma_start3A_10 : memref<1x1024xi32, #tpu.memory_space<hbm>> -> memref<1024xi32, #tpu.memory_space<hbm>>
      %dma_start3A_12 = arith.constant 0 : i32
      %dma_start3A_13 = tpu.memref_slice %arg3[%add3A, %dma_start3A_12] : memref<32x1024xi32, #tpu.memory_space<hbm>> -> memref<1x1024xi32, #tpu.memory_space<hbm>>
      %dma_start3A_14 = tpu.memref_squeeze %dma_start3A_13 : memref<1x1024xi32, #tpu.memory_space<hbm>> -> memref<1024xi32, #tpu.memory_space<hbm>>
      tpu.enqueue_dma source(%dma_start3A_14 : memref<1024xi32, #tpu.memory_space<hbm>>) target(%arg5 : memref<1024xi32, #tpu.memory_space<vmem>>) target_semaphore(%run_scoped3A : memref<!tpu.dma_semaphore, #tpu.memory_space<semaphore_mem>>)
      %dma_wait3A = arith.constant 0 : i32
      %dma_wait3A_15 = tpu.memref_slice %arg3[%add3A, %dma_wait3A] : memref<32x1024xi32, #tpu.memory_space<hbm>> -> memref<1x1024xi32, #tpu.memory_space<hbm>>
      %dma_wait3A_16 = tpu.memref_squeeze %dma_wait3A_15 : memref<1x1024xi32, #tpu.memory_space<hbm>> -> memref<1024xi32, #tpu.memory_space<hbm>>
      %dma_wait3A_17 = arith.constant 0 : i32
      %dma_wait3A_18 = tpu.memref_slice %arg3[%add3A, %dma_wait3A_17] : memref<32x1024xi32, #tpu.memory_space<hbm>> -> memref<1x1024xi32, #tpu.memory_space<hbm>>
      %dma_wait3A_19 = tpu.memref_squeeze %dma_wait3A_18 : memref<1x1024xi32, #tpu.memory_space<hbm>> -> memref<1024xi32, #tpu.memory_space<hbm>>
      tpu.wait_dma2 semaphore(%run_scoped3A : memref<!tpu.dma_semaphore, #tpu.memory_space<semaphore_mem>>) src(%dma_wait3A_19 : memref<1024xi32, #tpu.memory_space<hbm>>) dst(%arg5 : memref<1024xi32, #tpu.memory_space<vmem>>)
      tpu.yield
    }) : () -> ()
    %iota3A = tpu.iota {dimensions = array<i32: 0>} : vector<16xi32>
    %broadcast_in_dim3A = arith.constant 0 : i32
    %broadcast_in_dim3A_1 = vector.broadcast %broadcast_in_dim3A : i32 to vector<16xi32>
    %scan3A = arith.constant -1048576 : i32
    %scan3A_2 = arith.constant 0 : i32
    %scan3A_3 = arith.constant 64 : i32
    %scan3A_4 = arith.addi %scan3A_2, %scan3A_3 : i32
    %scan3A_5 = arith.constant 1 : i32
    %scan3A_6 = scf.for %scan3A_10 = %scan3A_2 to %scan3A_4 step %scan3A_5 iter_args(%scan3A_11 = %scan3A) -> (i32)  : i32 {
      %mul3A_12 = arith.constant 16 : i32
      %mul3A_13 = arith.muli %scan3A_10, %mul3A_12 : i32
      %get3A = arith.index_cast %mul3A_13 : i32 to index
      %get3A_14 = tpu.vector_load %arg5[%get3A] {strides = array<i32>} : memref<1024xi32, #tpu.memory_space<vmem>>, vector<16xi32>,
      %slice3A = vector.extract_strided_slice %get3A_14 {offsets = [0], sizes = [1], strides = [1]} : vector<16xi32> to vector<1xi32>
      %squeeze3A = vector.extract %slice3A[0] : i32 from vector<1xi32>
      %mul3A_15 = arith.constant 128 : i32
      %mul3A_16 = arith.muli %scan3A_11, %mul3A_15 : i32
      %sub3A = arith.subi %squeeze3A, %mul3A_16 : i32
      %ge3A = arith.constant 2944 : i32
      %ge3A_17 = arith.cmpi sge, %sub3A, %ge3A : i32
      %shift_right_logical3A = arith.constant 7 : i32
      %shift_right_logical3A_18 = arith.shrui %squeeze3A, %shift_right_logical3A : i32
      %min3A = arith.constant 7790 : i32
      %min3A_19 = arith.minsi %shift_right_logical3A_18, %min3A : i32
      %select_n3A = arith.select %ge3A_17, %min3A_19, %scan3A_11 : i32
      %convert_element_type3A = arith.extui %ge3A_17 : i1 to i32
      %cond3A = arith.constant 0 : i32
      %cond3A_20 = arith.cmpi ne, %convert_element_type3A, %cond3A : i32
      scf.if %cond3A_20 {
        %mul3A_549 = arith.constant 128 : i32
        %mul3A_550 = arith.muli %select_n3A, %mul3A_549 : i32
        %multiple_of3A = tpu.assume_multiple %mul3A_550, 128 : i32
        "tpu.region"() ({
          %run_scoped3A = tpu.sem_alloc : memref<!tpu.dma_semaphore, #tpu.memory_space<semaphore_mem>>
          %dma_start3A = arith.constant 0 : i32
          %dma_start3A_551 = tpu.memref_slice %arg2[%dma_start3A, %multiple_of3A] : memref<32x1000000xf32, #tpu.memory_space<hbm>> -> memref<32x2944xf32, #tpu.memory_space<hbm>>
          %dma_start3A_552 = arith.constant 0 : i32
          %dma_start3A_553 = tpu.memref_slice %arg2[%dma_start3A_552, %multiple_of3A] : memref<32x1000000xf32, #tpu.memory_space<hbm>> -> memref<32x2944xf32, #tpu.memory_space<hbm>>
          tpu.enqueue_dma source(%dma_start3A_553 : memref<32x2944xf32, #tpu.memory_space<hbm>>) target(%arg6 : memref<32x2944xf32, #tpu.memory_space<vmem>>) target_semaphore(%run_scoped3A : memref<!tpu.dma_semaphore, #tpu.memory_space<semaphore_mem>>)
          %dma_wait3A = arith.constant 0 : i32
          %dma_wait3A_554 = tpu.memref_slice %arg2[%dma_wait3A, %multiple_of3A] : memref<32x1000000xf32, #tpu.memory_space<hbm>> -> memref<32x2944xf32, #tpu.memory_space<hbm>>
          %dma_wait3A_555 = arith.constant 0 : i32
          %dma_wait3A_556 = tpu.memref_slice %arg2[%dma_wait3A_555, %multiple_of3A] : memref<32x1000000xf32, #tpu.memory_space<hbm>> -> memref<32x2944xf32, #tpu.memory_space<hbm>>
          tpu.wait_dma2 semaphore(%run_scoped3A : memref<!tpu.dma_semaphore, #tpu.memory_space<semaphore_mem>>) src(%dma_wait3A_556 : memref<32x2944xf32, #tpu.memory_space<hbm>>) dst(%arg6 : memref<32x2944xf32, #tpu.memory_space<vmem>>)
          tpu.yield
        }) : () -> ()
      } else {
      }
      %mul3A_21 = arith.constant 128 : i32
      %mul3A_22 = arith.muli %select_n3A, %mul3A_21 : i32
      %sub3A_23 = arith.subi %squeeze3A, %mul3A_22 : i32
      %add3A_24 = vector.broadcast %sub3A_23 : i32 to vector<16xi32>
      %add3A_25 = arith.addi %broadcast_in_dim3A_1, %add3A_24 : vector<16xi32>
      %mul3A_26 = arith.constant 16 : i32
      %mul3A_27 = arith.muli %scan3A_10, %mul3A_26 : i32
      %add3A_28 = arith.constant 0 : i32
      %add3A_29 = arith.addi %mul3A_27, %add3A_28 : i32
      %add3A_30 = vector.broadcast %add3A_29 : i32 to vector<16xi32>
      %add3A_31 = arith.addi %broadcast_in_dim3A_1, %add3A_30 : vector<16xi32>
      %gather3A = tpu.vector_load_idx %arg6[%iota3A, %add3A_25] : memref<32x2944xf32, #tpu.memory_space<vmem>>[vector<16xi32>, vector<16xi32>], vector<16xf32>,
      %add3A_32 = arith.constant 16 : i32
      %add3A_33 = vector.broadcast %add3A_32 : i32 to vector<16xi32>
      %add3A_34 = arith.addi %iota3A, %add3A_33 : vector<16xi32>
      %gather3A_35 = tpu.vector_load_idx %arg6[%add3A_34, %add3A_25] : memref<32x2944xf32, #tpu.memory_space<vmem>>[vector<16xi32>, vector<16xi32>], vector<16xf32>,
      tpu.vector_store_idx %arg7[%iota3A, %add3A_31], %gather3A : memref<32x1024xf32, #tpu.memory_space<vmem>>[vector<16xi32>, vector<16xi32>], vector<16xf32>,
      %add3A_36 = arith.constant 16 : i32
      %add3A_37 = vector.broadcast %add3A_36 : i32 to vector<16xi32>
      %add3A_38 = arith.addi %iota3A, %add3A_37 : vector<16xi32>
      tpu.vector_store_idx %arg7[%add3A_38, %add3A_31], %gather3A_35 : memref<32x1024xf32, #tpu.memory_space<vmem>>[vector<16xi32>, vector<16xi32>], vector<16xf32>,
      %slice3A_39 = vector.extract_strided_slice %get3A_14 {offsets = [1], sizes = [1], strides = [1]} : vector<16xi32> to vector<1xi32>
      %squeeze3A_40 = vector.extract %slice3A_39[0] : i32 from vector<1xi32>
      %mul3A_41 = arith.constant 128 : i32
      %mul3A_42 = arith.muli %select_n3A, %mul3A_41 : i32
      %sub3A_43 = arith.subi %squeeze3A_40, %mul3A_42 : i32
      %ge3A_44 = arith.constant 2944 : i32
      %ge3A_45 = arith.cmpi sge, %sub3A_43, %ge3A_44 : i32
      %shift_right_logical3A_46 = arith.constant 7 : i32
      %shift_right_logical3A_47 = arith.shrui %squeeze3A_40, %shift_right_logical3A_46 : i32
      %min3A_48 = arith.constant 7790 : i32
      %min3A_49 = arith.minsi %shift_right_logical3A_47, %min3A_48 : i32
      %select_n3A_50 = arith.select %ge3A_45, %min3A_49, %select_n3A : i32
      %convert_element_type3A_51 = arith.extui %ge3A_45 : i1 to i32
      %cond3A_52 = arith.constant 0 : i32
      %cond3A_53 = arith.cmpi ne, %convert_element_type3A_51, %cond3A_52 : i32
      scf.if %cond3A_53 {
        %mul3A_549 = arith.constant 128 : i32
        %mul3A_550 = arith.muli %select_n3A_50, %mul3A_549 : i32
        %multiple_of3A = tpu.assume_multiple %mul3A_550, 128 : i32
        "tpu.region"() ({
          %run_scoped3A = tpu.sem_alloc : memref<!tpu.dma_semaphore, #tpu.memory_space<semaphore_mem>>
          %dma_start3A = arith.constant 0 : i32
          %dma_start3A_551 = tpu.memref_slice %arg2[%dma_start3A, %multiple_of3A] : memref<32x1000000xf32, #tpu.memory_space<hbm>> -> memref<32x2944xf32, #tpu.memory_space<hbm>>
          %dma_start3A_552 = arith.constant 0 : i32
          %dma_start3A_553 = tpu.memref_slice %arg2[%dma_start3A_552, %multiple_of3A] : memref<32x1000000xf32, #tpu.memory_space<hbm>> -> memref<32x2944xf32, #tpu.memory_space<hbm>>
          tpu.enqueue_dma source(%dma_start3A_553 : memref<32x2944xf32, #tpu.memory_space<hbm>>) target(%arg6 : memref<32x2944xf32, #tpu.memory_space<vmem>>) target_semaphore(%run_scoped3A : memref<!tpu.dma_semaphore, #tpu.memory_space<semaphore_mem>>)
          %dma_wait3A = arith.constant 0 : i32
          %dma_wait3A_554 = tpu.memref_slice %arg2[%dma_wait3A, %multiple_of3A] : memref<32x1000000xf32, #tpu.memory_space<hbm>> -> memref<32x2944xf32, #tpu.memory_space<hbm>>
          %dma_wait3A_555 = arith.constant 0 : i32
          %dma_wait3A_556 = tpu.memref_slice %arg2[%dma_wait3A_555, %multiple_of3A] : memref<32x1000000xf32, #tpu.memory_space<hbm>> -> memref<32x2944xf32, #tpu.memory_space<hbm>>
          tpu.wait_dma2 semaphore(%run_scoped3A : memref<!tpu.dma_semaphore, #tpu.memory_space<semaphore_mem>>) src(%dma_wait3A_556 : memref<32x2944xf32, #tpu.memory_space<hbm>>) dst(%arg6 : memref<32x2944xf32, #tpu.memory_space<vmem>>)
          tpu.yield
        }) : () -> ()
      } else {
      }
      %mul3A_54 = arith.constant 128 : i32
      %mul3A_55 = arith.muli %select_n3A_50, %mul3A_54 : i32
      %sub3A_56 = arith.subi %squeeze3A_40, %mul3A_55 : i32
      %add3A_57 = vector.broadcast %sub3A_56 : i32 to vector<16xi32>
      %add3A_58 = arith.addi %broadcast_in_dim3A_1, %add3A_57 : vector<16xi32>
      %mul3A_59 = arith.constant 16 : i32
      %mul3A_60 = arith.muli %scan3A_10, %mul3A_59 : i32
      %add3A_61 = arith.constant 1 : i32
      %add3A_62 = arith.addi %mul3A_60, %add3A_61 : i32
      %add3A_63 = vector.broadcast %add3A_62 : i32 to vector<16xi32>
      %add3A_64 = arith.addi %broadcast_in_dim3A_1, %add3A_63 : vector<16xi32>
      %gather3A_65 = tpu.vector_load_idx %arg6[%iota3A, %add3A_58] : memref<32x2944xf32, #tpu.memory_space<vmem>>[vector<16xi32>, vector<16xi32>], vector<16xf32>,
      %add3A_66 = arith.constant 16 : i32
      %add3A_67 = vector.broadcast %add3A_66 : i32 to vector<16xi32>
      %add3A_68 = arith.addi %iota3A, %add3A_67 : vector<16xi32>
      %gather3A_69 = tpu.vector_load_idx %arg6[%add3A_68, %add3A_58] : memref<32x2944xf32, #tpu.memory_space<vmem>>[vector<16xi32>, vector<16xi32>], vector<16xf32>,
      tpu.vector_store_idx %arg7[%iota3A, %add3A_64], %gather3A_65 : memref<32x1024xf32, #tpu.memory_space<vmem>>[vector<16xi32>, vector<16xi32>], vector<16xf32>,
      %add3A_70 = arith.constant 16 : i32
      %add3A_71 = vector.broadcast %add3A_70 : i32 to vector<16xi32>
      %add3A_72 = arith.addi %iota3A, %add3A_71 : vector<16xi32>
      tpu.vector_store_idx %arg7[%add3A_72, %add3A_64], %gather3A_69 : memref<32x1024xf32, #tpu.memory_space<vmem>>[vector<16xi32>, vector<16xi32>], vector<16xf32>,
      %slice3A_73 = vector.extract_strided_slice %get3A_14 {offsets = [2], sizes = [1], strides = [1]} : vector<16xi32> to vector<1xi32>
      %squeeze3A_74 = vector.extract %slice3A_73[0] : i32 from vector<1xi32>
      %mul3A_75 = arith.constant 128 : i32
      %mul3A_76 = arith.muli %select_n3A_50, %mul3A_75 : i32
      %sub3A_77 = arith.subi %squeeze3A_74, %mul3A_76 : i32
      %ge3A_78 = arith.constant 2944 : i32
      %ge3A_79 = arith.cmpi sge, %sub3A_77, %ge3A_78 : i32
      %shift_right_logical3A_80 = arith.constant 7 : i32
      %shift_right_logical3A_81 = arith.shrui %squeeze3A_74, %shift_right_logical3A_80 : i32
      %min3A_82 = arith.constant 7790 : i32
      %min3A_83 = arith.minsi %shift_right_logical3A_81, %min3A_82 : i32
      %select_n3A_84 = arith.select %ge3A_79, %min3A_83, %select_n3A_50 : i32
      %convert_element_type3A_85 = arith.extui %ge3A_79 : i1 to i32
      %cond3A_86 = arith.constant 0 : i32
      %cond3A_87 = arith.cmpi ne, %convert_element_type3A_85, %cond3A_86 : i32
      scf.if %cond3A_87 {
        %mul3A_549 = arith.constant 128 : i32
        %mul3A_550 = arith.muli %select_n3A_84, %mul3A_549 : i32
        %multiple_of3A = tpu.assume_multiple %mul3A_550, 128 : i32
        "tpu.region"() ({
          %run_scoped3A = tpu.sem_alloc : memref<!tpu.dma_semaphore, #tpu.memory_space<semaphore_mem>>
          %dma_start3A = arith.constant 0 : i32
          %dma_start3A_551 = tpu.memref_slice %arg2[%dma_start3A, %multiple_of3A] : memref<32x1000000xf32, #tpu.memory_space<hbm>> -> memref<32x2944xf32, #tpu.memory_space<hbm>>
          %dma_start3A_552 = arith.constant 0 : i32
          %dma_start3A_553 = tpu.memref_slice %arg2[%dma_start3A_552, %multiple_of3A] : memref<32x1000000xf32, #tpu.memory_space<hbm>> -> memref<32x2944xf32, #tpu.memory_space<hbm>>
          tpu.enqueue_dma source(%dma_start3A_553 : memref<32x2944xf32, #tpu.memory_space<hbm>>) target(%arg6 : memref<32x2944xf32, #tpu.memory_space<vmem>>) target_semaphore(%run_scoped3A : memref<!tpu.dma_semaphore, #tpu.memory_space<semaphore_mem>>)
          %dma_wait3A = arith.constant 0 : i32
          %dma_wait3A_554 = tpu.memref_slice %arg2[%dma_wait3A, %multiple_of3A] : memref<32x1000000xf32, #tpu.memory_space<hbm>> -> memref<32x2944xf32, #tpu.memory_space<hbm>>
          %dma_wait3A_555 = arith.constant 0 : i32
          %dma_wait3A_556 = tpu.memref_slice %arg2[%dma_wait3A_555, %multiple_of3A] : memref<32x1000000xf32, #tpu.memory_space<hbm>> -> memref<32x2944xf32, #tpu.memory_space<hbm>>
          tpu.wait_dma2 semaphore(%run_scoped3A : memref<!tpu.dma_semaphore, #tpu.memory_space<semaphore_mem>>) src(%dma_wait3A_556 : memref<32x2944xf32, #tpu.memory_space<hbm>>) dst(%arg6 : memref<32x2944xf32, #tpu.memory_space<vmem>>)
          tpu.yield
        }) : () -> ()
      } else {
      }
      %mul3A_88 = arith.constant 128 : i32
      %mul3A_89 = arith.muli %select_n3A_84, %mul3A_88 : i32
      %sub3A_90 = arith.subi %squeeze3A_74, %mul3A_89 : i32
      %add3A_91 = vector.broadcast %sub3A_90 : i32 to vector<16xi32>
      %add3A_92 = arith.addi %broadcast_in_dim3A_1, %add3A_91 : vector<16xi32>
      %mul3A_93 = arith.constant 16 : i32
      %mul3A_94 = arith.muli %scan3A_10, %mul3A_93 : i32
      %add3A_95 = arith.constant 2 : i32
      %add3A_96 = arith.addi %mul3A_94, %add3A_95 : i32
      %add3A_97 = vector.broadcast %add3A_96 : i32 to vector<16xi32>
      %add3A_98 = arith.addi %broadcast_in_dim3A_1, %add3A_97 : vector<16xi32>
      %gather3A_99 = tpu.vector_load_idx %arg6[%iota3A, %add3A_92] : memref<32x2944xf32, #tpu.memory_space<vmem>>[vector<16xi32>, vector<16xi32>], vector<16xf32>,
      %add3A_100 = arith.constant 16 : i32
      %add3A_101 = vector.broadcast %add3A_100 : i32 to vector<16xi32>
      %add3A_102 = arith.addi %iota3A, %add3A_101 : vector<16xi32>
      %gather3A_103 = tpu.vector_load_idx %arg6[%add3A_102, %add3A_92] : memref<32x2944xf32, #tpu.memory_space<vmem>>[vector<16xi32>, vector<16xi32>], vector<16xf32>,
      tpu.vector_store_idx %arg7[%iota3A, %add3A_98], %gather3A_99 : memref<32x1024xf32, #tpu.memory_space<vmem>>[vector<16xi32>, vector<16xi32>], vector<16xf32>,
      %add3A_104 = arith.constant 16 : i32
      %add3A_105 = vector.broadcast %add3A_104 : i32 to vector<16xi32>
      %add3A_106 = arith.addi %iota3A, %add3A_105 : vector<16xi32>
      tpu.vector_store_idx %arg7[%add3A_106, %add3A_98], %gather3A_103 : memref<32x1024xf32, #tpu.memory_space<vmem>>[vector<16xi32>, vector<16xi32>], vector<16xf32>,
      %slice3A_107 = vector.extract_strided_slice %get3A_14 {offsets = [3], sizes = [1], strides = [1]} : vector<16xi32> to vector<1xi32>
      %squeeze3A_108 = vector.extract %slice3A_107[0] : i32 from vector<1xi32>
      %mul3A_109 = arith.constant 128 : i32
      %mul3A_110 = arith.muli %select_n3A_84, %mul3A_109 : i32
      %sub3A_111 = arith.subi %squeeze3A_108, %mul3A_110 : i32
      %ge3A_112 = arith.constant 2944 : i32
      %ge3A_113 = arith.cmpi sge, %sub3A_111, %ge3A_112 : i32
      %shift_right_logical3A_114 = arith.constant 7 : i32
      %shift_right_logical3A_115 = arith.shrui %squeeze3A_108, %shift_right_logical3A_114 : i32
      %min3A_116 = arith.constant 7790 : i32
      %min3A_117 = arith.minsi %shift_right_logical3A_115, %min3A_116 : i32
      %select_n3A_118 = arith.select %ge3A_113, %min3A_117, %select_n3A_84 : i32
      %convert_element_type3A_119 = arith.extui %ge3A_113 : i1 to i32
      %cond3A_120 = arith.constant 0 : i32
      %cond3A_121 = arith.cmpi ne, %convert_element_type3A_119, %cond3A_120 : i32
      scf.if %cond3A_121 {
        %mul3A_549 = arith.constant 128 : i32
        %mul3A_550 = arith.muli %select_n3A_118, %mul3A_549 : i32
        %multiple_of3A = tpu.assume_multiple %mul3A_550, 128 : i32
        "tpu.region"() ({
          %run_scoped3A = tpu.sem_alloc : memref<!tpu.dma_semaphore, #tpu.memory_space<semaphore_mem>>
          %dma_start3A = arith.constant 0 : i32
          %dma_start3A_551 = tpu.memref_slice %arg2[%dma_start3A, %multiple_of3A] : memref<32x1000000xf32, #tpu.memory_space<hbm>> -> memref<32x2944xf32, #tpu.memory_space<hbm>>
          %dma_start3A_552 = arith.constant 0 : i32
          %dma_start3A_553 = tpu.memref_slice %arg2[%dma_start3A_552, %multiple_of3A] : memref<32x1000000xf32, #tpu.memory_space<hbm>> -> memref<32x2944xf32, #tpu.memory_space<hbm>>
          tpu.enqueue_dma source(%dma_start3A_553 : memref<32x2944xf32, #tpu.memory_space<hbm>>) target(%arg6 : memref<32x2944xf32, #tpu.memory_space<vmem>>) target_semaphore(%run_scoped3A : memref<!tpu.dma_semaphore, #tpu.memory_space<semaphore_mem>>)
          %dma_wait3A = arith.constant 0 : i32
          %dma_wait3A_554 = tpu.memref_slice %arg2[%dma_wait3A, %multiple_of3A] : memref<32x1000000xf32, #tpu.memory_space<hbm>> -> memref<32x2944xf32, #tpu.memory_space<hbm>>
          %dma_wait3A_555 = arith.constant 0 : i32
          %dma_wait3A_556 = tpu.memref_slice %arg2[%dma_wait3A_555, %multiple_of3A] : memref<32x1000000xf32, #tpu.memory_space<hbm>> -> memref<32x2944xf32, #tpu.memory_space<hbm>>
          tpu.wait_dma2 semaphore(%run_scoped3A : memref<!tpu.dma_semaphore, #tpu.memory_space<semaphore_mem>>) src(%dma_wait3A_556 : memref<32x2944xf32, #tpu.memory_space<hbm>>) dst(%arg6 : memref<32x2944xf32, #tpu.memory_space<vmem>>)
          tpu.yield
        }) : () -> ()
      } else {
      }
      %mul3A_122 = arith.constant 128 : i32
      %mul3A_123 = arith.muli %select_n3A_118, %mul3A_122 : i32
      %sub3A_124 = arith.subi %squeeze3A_108, %mul3A_123 : i32
      %add3A_125 = vector.broadcast %sub3A_124 : i32 to vector<16xi32>
      %add3A_126 = arith.addi %broadcast_in_dim3A_1, %add3A_125 : vector<16xi32>
      %mul3A_127 = arith.constant 16 : i32
      %mul3A_128 = arith.muli %scan3A_10, %mul3A_127 : i32
      %add3A_129 = arith.constant 3 : i32
      %add3A_130 = arith.addi %mul3A_128, %add3A_129 : i32
      %add3A_131 = vector.broadcast %add3A_130 : i32 to vector<16xi32>
      %add3A_132 = arith.addi %broadcast_in_dim3A_1, %add3A_131 : vector<16xi32>
      %gather3A_133 = tpu.vector_load_idx %arg6[%iota3A, %add3A_126] : memref<32x2944xf32, #tpu.memory_space<vmem>>[vector<16xi32>, vector<16xi32>], vector<16xf32>,
      %add3A_134 = arith.constant 16 : i32
      %add3A_135 = vector.broadcast %add3A_134 : i32 to vector<16xi32>
      %add3A_136 = arith.addi %iota3A, %add3A_135 : vector<16xi32>
      %gather3A_137 = tpu.vector_load_idx %arg6[%add3A_136, %add3A_126] : memref<32x2944xf32, #tpu.memory_space<vmem>>[vector<16xi32>, vector<16xi32>], vector<16xf32>,
      tpu.vector_store_idx %arg7[%iota3A, %add3A_132], %gather3A_133 : memref<32x1024xf32, #tpu.memory_space<vmem>>[vector<16xi32>, vector<16xi32>], vector<16xf32>,
      %add3A_138 = arith.constant 16 : i32
      %add3A_139 = vector.broadcast %add3A_138 : i32 to vector<16xi32>
      %add3A_140 = arith.addi %iota3A, %add3A_139 : vector<16xi32>
      tpu.vector_store_idx %arg7[%add3A_140, %add3A_132], %gather3A_137 : memref<32x1024xf32, #tpu.memory_space<vmem>>[vector<16xi32>, vector<16xi32>], vector<16xf32>,
      %slice3A_141 = vector.extract_strided_slice %get3A_14 {offsets = [4], sizes = [1], strides = [1]} : vector<16xi32> to vector<1xi32>
      %squeeze3A_142 = vector.extract %slice3A_141[0] : i32 from vector<1xi32>
      %mul3A_143 = arith.constant 128 : i32
      %mul3A_144 = arith.muli %select_n3A_118, %mul3A_143 : i32
      %sub3A_145 = arith.subi %squeeze3A_142, %mul3A_144 : i32
      %ge3A_146 = arith.constant 2944 : i32
      %ge3A_147 = arith.cmpi sge, %sub3A_145, %ge3A_146 : i32
      %shift_right_logical3A_148 = arith.constant 7 : i32
      %shift_right_logical3A_149 = arith.shrui %squeeze3A_142, %shift_right_logical3A_148 : i32
      %min3A_150 = arith.constant 7790 : i32
      %min3A_151 = arith.minsi %shift_right_logical3A_149, %min3A_150 : i32
      %select_n3A_152 = arith.select %ge3A_147, %min3A_151, %select_n3A_118 : i32
      %convert_element_type3A_153 = arith.extui %ge3A_147 : i1 to i32
      %cond3A_154 = arith.constant 0 : i32
      %cond3A_155 = arith.cmpi ne, %convert_element_type3A_153, %cond3A_154 : i32
      scf.if %cond3A_155 {
        %mul3A_549 = arith.constant 128 : i32
        %mul3A_550 = arith.muli %select_n3A_152, %mul3A_549 : i32
        %multiple_of3A = tpu.assume_multiple %mul3A_550, 128 : i32
        "tpu.region"() ({
          %run_scoped3A = tpu.sem_alloc : memref<!tpu.dma_semaphore, #tpu.memory_space<semaphore_mem>>
          %dma_start3A = arith.constant 0 : i32
          %dma_start3A_551 = tpu.memref_slice %arg2[%dma_start3A, %multiple_of3A] : memref<32x1000000xf32, #tpu.memory_space<hbm>> -> memref<32x2944xf32, #tpu.memory_space<hbm>>
          %dma_start3A_552 = arith.constant 0 : i32
          %dma_start3A_553 = tpu.memref_slice %arg2[%dma_start3A_552, %multiple_of3A] : memref<32x1000000xf32, #tpu.memory_space<hbm>> -> memref<32x2944xf32, #tpu.memory_space<hbm>>
          tpu.enqueue_dma source(%dma_start3A_553 : memref<32x2944xf32, #tpu.memory_space<hbm>>) target(%arg6 : memref<32x2944xf32, #tpu.memory_space<vmem>>) target_semaphore(%run_scoped3A : memref<!tpu.dma_semaphore, #tpu.memory_space<semaphore_mem>>)
          %dma_wait3A = arith.constant 0 : i32
          %dma_wait3A_554 = tpu.memref_slice %arg2[%dma_wait3A, %multiple_of3A] : memref<32x1000000xf32, #tpu.memory_space<hbm>> -> memref<32x2944xf32, #tpu.memory_space<hbm>>
          %dma_wait3A_555 = arith.constant 0 : i32
          %dma_wait3A_556 = tpu.memref_slice %arg2[%dma_wait3A_555, %multiple_of3A] : memref<32x1000000xf32, #tpu.memory_space<hbm>> -> memref<32x2944xf32, #tpu.memory_space<hbm>>
          tpu.wait_dma2 semaphore(%run_scoped3A : memref<!tpu.dma_semaphore, #tpu.memory_space<semaphore_mem>>) src(%dma_wait3A_556 : memref<32x2944xf32, #tpu.memory_space<hbm>>) dst(%arg6 : memref<32x2944xf32, #tpu.memory_space<vmem>>)
          tpu.yield
        }) : () -> ()
      } else {
      }
      %mul3A_156 = arith.constant 128 : i32
      %mul3A_157 = arith.muli %select_n3A_152, %mul3A_156 : i32
      %sub3A_158 = arith.subi %squeeze3A_142, %mul3A_157 : i32
      %add3A_159 = vector.broadcast %sub3A_158 : i32 to vector<16xi32>
      %add3A_160 = arith.addi %broadcast_in_dim3A_1, %add3A_159 : vector<16xi32>
      %mul3A_161 = arith.constant 16 : i32
      %mul3A_162 = arith.muli %scan3A_10, %mul3A_161 : i32
      %add3A_163 = arith.constant 4 : i32
      %add3A_164 = arith.addi %mul3A_162, %add3A_163 : i32
      %add3A_165 = vector.broadcast %add3A_164 : i32 to vector<16xi32>
      %add3A_166 = arith.addi %broadcast_in_dim3A_1, %add3A_165 : vector<16xi32>
      %gather3A_167 = tpu.vector_load_idx %arg6[%iota3A, %add3A_160] : memref<32x2944xf32, #tpu.memory_space<vmem>>[vector<16xi32>, vector<16xi32>], vector<16xf32>,
      %add3A_168 = arith.constant 16 : i32
      %add3A_169 = vector.broadcast %add3A_168 : i32 to vector<16xi32>
      %add3A_170 = arith.addi %iota3A, %add3A_169 : vector<16xi32>
      %gather3A_171 = tpu.vector_load_idx %arg6[%add3A_170, %add3A_160] : memref<32x2944xf32, #tpu.memory_space<vmem>>[vector<16xi32>, vector<16xi32>], vector<16xf32>,
      tpu.vector_store_idx %arg7[%iota3A, %add3A_166], %gather3A_167 : memref<32x1024xf32, #tpu.memory_space<vmem>>[vector<16xi32>, vector<16xi32>], vector<16xf32>,
      %add3A_172 = arith.constant 16 : i32
      %add3A_173 = vector.broadcast %add3A_172 : i32 to vector<16xi32>
      %add3A_174 = arith.addi %iota3A, %add3A_173 : vector<16xi32>
      tpu.vector_store_idx %arg7[%add3A_174, %add3A_166], %gather3A_171 : memref<32x1024xf32, #tpu.memory_space<vmem>>[vector<16xi32>, vector<16xi32>], vector<16xf32>,
      %slice3A_175 = vector.extract_strided_slice %get3A_14 {offsets = [5], sizes = [1], strides = [1]} : vector<16xi32> to vector<1xi32>
      %squeeze3A_176 = vector.extract %slice3A_175[0] : i32 from vector<1xi32>
      %mul3A_177 = arith.constant 128 : i32
      %mul3A_178 = arith.muli %select_n3A_152, %mul3A_177 : i32
      %sub3A_179 = arith.subi %squeeze3A_176, %mul3A_178 : i32
      %ge3A_180 = arith.constant 2944 : i32
      %ge3A_181 = arith.cmpi sge, %sub3A_179, %ge3A_180 : i32
      %shift_right_logical3A_182 = arith.constant 7 : i32
      %shift_right_logical3A_183 = arith.shrui %squeeze3A_176, %shift_right_logical3A_182 : i32
      %min3A_184 = arith.constant 7790 : i32
      %min3A_185 = arith.minsi %shift_right_logical3A_183, %min3A_184 : i32
      %select_n3A_186 = arith.select %ge3A_181, %min3A_185, %select_n3A_152 : i32
      %convert_element_type3A_187 = arith.extui %ge3A_181 : i1 to i32
      %cond3A_188 = arith.constant 0 : i32
      %cond3A_189 = arith.cmpi ne, %convert_element_type3A_187, %cond3A_188 : i32
      scf.if %cond3A_189 {
        %mul3A_549 = arith.constant 128 : i32
        %mul3A_550 = arith.muli %select_n3A_186, %mul3A_549 : i32
        %multiple_of3A = tpu.assume_multiple %mul3A_550, 128 : i32
        "tpu.region"() ({
          %run_scoped3A = tpu.sem_alloc : memref<!tpu.dma_semaphore, #tpu.memory_space<semaphore_mem>>
          %dma_start3A = arith.constant 0 : i32
          %dma_start3A_551 = tpu.memref_slice %arg2[%dma_start3A, %multiple_of3A] : memref<32x1000000xf32, #tpu.memory_space<hbm>> -> memref<32x2944xf32, #tpu.memory_space<hbm>>
          %dma_start3A_552 = arith.constant 0 : i32
          %dma_start3A_553 = tpu.memref_slice %arg2[%dma_start3A_552, %multiple_of3A] : memref<32x1000000xf32, #tpu.memory_space<hbm>> -> memref<32x2944xf32, #tpu.memory_space<hbm>>
          tpu.enqueue_dma source(%dma_start3A_553 : memref<32x2944xf32, #tpu.memory_space<hbm>>) target(%arg6 : memref<32x2944xf32, #tpu.memory_space<vmem>>) target_semaphore(%run_scoped3A : memref<!tpu.dma_semaphore, #tpu.memory_space<semaphore_mem>>)
          %dma_wait3A = arith.constant 0 : i32
          %dma_wait3A_554 = tpu.memref_slice %arg2[%dma_wait3A, %multiple_of3A] : memref<32x1000000xf32, #tpu.memory_space<hbm>> -> memref<32x2944xf32, #tpu.memory_space<hbm>>
          %dma_wait3A_555 = arith.constant 0 : i32
          %dma_wait3A_556 = tpu.memref_slice %arg2[%dma_wait3A_555, %multiple_of3A] : memref<32x1000000xf32, #tpu.memory_space<hbm>> -> memref<32x2944xf32, #tpu.memory_space<hbm>>
          tpu.wait_dma2 semaphore(%run_scoped3A : memref<!tpu.dma_semaphore, #tpu.memory_space<semaphore_mem>>) src(%dma_wait3A_556 : memref<32x2944xf32, #tpu.memory_space<hbm>>) dst(%arg6 : memref<32x2944xf32, #tpu.memory_space<vmem>>)
          tpu.yield
        }) : () -> ()
      } else {
      }
      %mul3A_190 = arith.constant 128 : i32
      %mul3A_191 = arith.muli %select_n3A_186, %mul3A_190 : i32
      %sub3A_192 = arith.subi %squeeze3A_176, %mul3A_191 : i32
      %add3A_193 = vector.broadcast %sub3A_192 : i32 to vector<16xi32>
      %add3A_194 = arith.addi %broadcast_in_dim3A_1, %add3A_193 : vector<16xi32>
      %mul3A_195 = arith.constant 16 : i32
      %mul3A_196 = arith.muli %scan3A_10, %mul3A_195 : i32
      %add3A_197 = arith.constant 5 : i32
      %add3A_198 = arith.addi %mul3A_196, %add3A_197 : i32
      %add3A_199 = vector.broadcast %add3A_198 : i32 to vector<16xi32>
      %add3A_200 = arith.addi %broadcast_in_dim3A_1, %add3A_199 : vector<16xi32>
      %gather3A_201 = tpu.vector_load_idx %arg6[%iota3A, %add3A_194] : memref<32x2944xf32, #tpu.memory_space<vmem>>[vector<16xi32>, vector<16xi32>], vector<16xf32>,
      %add3A_202 = arith.constant 16 : i32
      %add3A_203 = vector.broadcast %add3A_202 : i32 to vector<16xi32>
      %add3A_204 = arith.addi %iota3A, %add3A_203 : vector<16xi32>
      %gather3A_205 = tpu.vector_load_idx %arg6[%add3A_204, %add3A_194] : memref<32x2944xf32, #tpu.memory_space<vmem>>[vector<16xi32>, vector<16xi32>], vector<16xf32>,
      tpu.vector_store_idx %arg7[%iota3A, %add3A_200], %gather3A_201 : memref<32x1024xf32, #tpu.memory_space<vmem>>[vector<16xi32>, vector<16xi32>], vector<16xf32>,
      %add3A_206 = arith.constant 16 : i32
      %add3A_207 = vector.broadcast %add3A_206 : i32 to vector<16xi32>
      %add3A_208 = arith.addi %iota3A, %add3A_207 : vector<16xi32>
      tpu.vector_store_idx %arg7[%add3A_208, %add3A_200], %gather3A_205 : memref<32x1024xf32, #tpu.memory_space<vmem>>[vector<16xi32>, vector<16xi32>], vector<16xf32>,
      %slice3A_209 = vector.extract_strided_slice %get3A_14 {offsets = [6], sizes = [1], strides = [1]} : vector<16xi32> to vector<1xi32>
      %squeeze3A_210 = vector.extract %slice3A_209[0] : i32 from vector<1xi32>
      %mul3A_211 = arith.constant 128 : i32
      %mul3A_212 = arith.muli %select_n3A_186, %mul3A_211 : i32
      %sub3A_213 = arith.subi %squeeze3A_210, %mul3A_212 : i32
      %ge3A_214 = arith.constant 2944 : i32
      %ge3A_215 = arith.cmpi sge, %sub3A_213, %ge3A_214 : i32
      %shift_right_logical3A_216 = arith.constant 7 : i32
      %shift_right_logical3A_217 = arith.shrui %squeeze3A_210, %shift_right_logical3A_216 : i32
      %min3A_218 = arith.constant 7790 : i32
      %min3A_219 = arith.minsi %shift_right_logical3A_217, %min3A_218 : i32
      %select_n3A_220 = arith.select %ge3A_215, %min3A_219, %select_n3A_186 : i32
      %convert_element_type3A_221 = arith.extui %ge3A_215 : i1 to i32
      %cond3A_222 = arith.constant 0 : i32
      %cond3A_223 = arith.cmpi ne, %convert_element_type3A_221, %cond3A_222 : i32
      scf.if %cond3A_223 {
        %mul3A_549 = arith.constant 128 : i32
        %mul3A_550 = arith.muli %select_n3A_220, %mul3A_549 : i32
        %multiple_of3A = tpu.assume_multiple %mul3A_550, 128 : i32
        "tpu.region"() ({
          %run_scoped3A = tpu.sem_alloc : memref<!tpu.dma_semaphore, #tpu.memory_space<semaphore_mem>>
          %dma_start3A = arith.constant 0 : i32
          %dma_start3A_551 = tpu.memref_slice %arg2[%dma_start3A, %multiple_of3A] : memref<32x1000000xf32, #tpu.memory_space<hbm>> -> memref<32x2944xf32, #tpu.memory_space<hbm>>
          %dma_start3A_552 = arith.constant 0 : i32
          %dma_start3A_553 = tpu.memref_slice %arg2[%dma_start3A_552, %multiple_of3A] : memref<32x1000000xf32, #tpu.memory_space<hbm>> -> memref<32x2944xf32, #tpu.memory_space<hbm>>
          tpu.enqueue_dma source(%dma_start3A_553 : memref<32x2944xf32, #tpu.memory_space<hbm>>) target(%arg6 : memref<32x2944xf32, #tpu.memory_space<vmem>>) target_semaphore(%run_scoped3A : memref<!tpu.dma_semaphore, #tpu.memory_space<semaphore_mem>>)
          %dma_wait3A = arith.constant 0 : i32
          %dma_wait3A_554 = tpu.memref_slice %arg2[%dma_wait3A, %multiple_of3A] : memref<32x1000000xf32, #tpu.memory_space<hbm>> -> memref<32x2944xf32, #tpu.memory_space<hbm>>
          %dma_wait3A_555 = arith.constant 0 : i32
          %dma_wait3A_556 = tpu.memref_slice %arg2[%dma_wait3A_555, %multiple_of3A] : memref<32x1000000xf32, #tpu.memory_space<hbm>> -> memref<32x2944xf32, #tpu.memory_space<hbm>>
          tpu.wait_dma2 semaphore(%run_scoped3A : memref<!tpu.dma_semaphore, #tpu.memory_space<semaphore_mem>>) src(%dma_wait3A_556 : memref<32x2944xf32, #tpu.memory_space<hbm>>) dst(%arg6 : memref<32x2944xf32, #tpu.memory_space<vmem>>)
          tpu.yield
        }) : () -> ()
      } else {
      }
      %mul3A_224 = arith.constant 128 : i32
      %mul3A_225 = arith.muli %select_n3A_220, %mul3A_224 : i32
      %sub3A_226 = arith.subi %squeeze3A_210, %mul3A_225 : i32
      %add3A_227 = vector.broadcast %sub3A_226 : i32 to vector<16xi32>
      %add3A_228 = arith.addi %broadcast_in_dim3A_1, %add3A_227 : vector<16xi32>
      %mul3A_229 = arith.constant 16 : i32
      %mul3A_230 = arith.muli %scan3A_10, %mul3A_229 : i32
      %add3A_231 = arith.constant 6 : i32
      %add3A_232 = arith.addi %mul3A_230, %add3A_231 : i32
      %add3A_233 = vector.broadcast %add3A_232 : i32 to vector<16xi32>
      %add3A_234 = arith.addi %broadcast_in_dim3A_1, %add3A_233 : vector<16xi32>
      %gather3A_235 = tpu.vector_load_idx %arg6[%iota3A, %add3A_228] : memref<32x2944xf32, #tpu.memory_space<vmem>>[vector<16xi32>, vector<16xi32>], vector<16xf32>,
      %add3A_236 = arith.constant 16 : i32
      %add3A_237 = vector.broadcast %add3A_236 : i32 to vector<16xi32>
      %add3A_238 = arith.addi %iota3A, %add3A_237 : vector<16xi32>
      %gather3A_239 = tpu.vector_load_idx %arg6[%add3A_238, %add3A_228] : memref<32x2944xf32, #tpu.memory_space<vmem>>[vector<16xi32>, vector<16xi32>], vector<16xf32>,
      tpu.vector_store_idx %arg7[%iota3A, %add3A_234], %gather3A_235 : memref<32x1024xf32, #tpu.memory_space<vmem>>[vector<16xi32>, vector<16xi32>], vector<16xf32>,
      %add3A_240 = arith.constant 16 : i32
      %add3A_241 = vector.broadcast %add3A_240 : i32 to vector<16xi32>
      %add3A_242 = arith.addi %iota3A, %add3A_241 : vector<16xi32>
      tpu.vector_store_idx %arg7[%add3A_242, %add3A_234], %gather3A_239 : memref<32x1024xf32, #tpu.memory_space<vmem>>[vector<16xi32>, vector<16xi32>], vector<16xf32>,
      %slice3A_243 = vector.extract_strided_slice %get3A_14 {offsets = [7], sizes = [1], strides = [1]} : vector<16xi32> to vector<1xi32>
      %squeeze3A_244 = vector.extract %slice3A_243[0] : i32 from vector<1xi32>
      %mul3A_245 = arith.constant 128 : i32
      %mul3A_246 = arith.muli %select_n3A_220, %mul3A_245 : i32
      %sub3A_247 = arith.subi %squeeze3A_244, %mul3A_246 : i32
      %ge3A_248 = arith.constant 2944 : i32
      %ge3A_249 = arith.cmpi sge, %sub3A_247, %ge3A_248 : i32
      %shift_right_logical3A_250 = arith.constant 7 : i32
      %shift_right_logical3A_251 = arith.shrui %squeeze3A_244, %shift_right_logical3A_250 : i32
      %min3A_252 = arith.constant 7790 : i32
      %min3A_253 = arith.minsi %shift_right_logical3A_251, %min3A_252 : i32
      %select_n3A_254 = arith.select %ge3A_249, %min3A_253, %select_n3A_220 : i32
      %convert_element_type3A_255 = arith.extui %ge3A_249 : i1 to i32
      %cond3A_256 = arith.constant 0 : i32
      %cond3A_257 = arith.cmpi ne, %convert_element_type3A_255, %cond3A_256 : i32
      scf.if %cond3A_257 {
        %mul3A_549 = arith.constant 128 : i32
        %mul3A_550 = arith.muli %select_n3A_254, %mul3A_549 : i32
        %multiple_of3A = tpu.assume_multiple %mul3A_550, 128 : i32
        "tpu.region"() ({
          %run_scoped3A = tpu.sem_alloc : memref<!tpu.dma_semaphore, #tpu.memory_space<semaphore_mem>>
          %dma_start3A = arith.constant 0 : i32
          %dma_start3A_551 = tpu.memref_slice %arg2[%dma_start3A, %multiple_of3A] : memref<32x1000000xf32, #tpu.memory_space<hbm>> -> memref<32x2944xf32, #tpu.memory_space<hbm>>
          %dma_start3A_552 = arith.constant 0 : i32
          %dma_start3A_553 = tpu.memref_slice %arg2[%dma_start3A_552, %multiple_of3A] : memref<32x1000000xf32, #tpu.memory_space<hbm>> -> memref<32x2944xf32, #tpu.memory_space<hbm>>
          tpu.enqueue_dma source(%dma_start3A_553 : memref<32x2944xf32, #tpu.memory_space<hbm>>) target(%arg6 : memref<32x2944xf32, #tpu.memory_space<vmem>>) target_semaphore(%run_scoped3A : memref<!tpu.dma_semaphore, #tpu.memory_space<semaphore_mem>>)
          %dma_wait3A = arith.constant 0 : i32
          %dma_wait3A_554 = tpu.memref_slice %arg2[%dma_wait3A, %multiple_of3A] : memref<32x1000000xf32, #tpu.memory_space<hbm>> -> memref<32x2944xf32, #tpu.memory_space<hbm>>
          %dma_wait3A_555 = arith.constant 0 : i32
          %dma_wait3A_556 = tpu.memref_slice %arg2[%dma_wait3A_555, %multiple_of3A] : memref<32x1000000xf32, #tpu.memory_space<hbm>> -> memref<32x2944xf32, #tpu.memory_space<hbm>>
          tpu.wait_dma2 semaphore(%run_scoped3A : memref<!tpu.dma_semaphore, #tpu.memory_space<semaphore_mem>>) src(%dma_wait3A_556 : memref<32x2944xf32, #tpu.memory_space<hbm>>) dst(%arg6 : memref<32x2944xf32, #tpu.memory_space<vmem>>)
          tpu.yield
        }) : () -> ()
      } else {
      }
      %mul3A_258 = arith.constant 128 : i32
      %mul3A_259 = arith.muli %select_n3A_254, %mul3A_258 : i32
      %sub3A_260 = arith.subi %squeeze3A_244, %mul3A_259 : i32
      %add3A_261 = vector.broadcast %sub3A_260 : i32 to vector<16xi32>
      %add3A_262 = arith.addi %broadcast_in_dim3A_1, %add3A_261 : vector<16xi32>
      %mul3A_263 = arith.constant 16 : i32
      %mul3A_264 = arith.muli %scan3A_10, %mul3A_263 : i32
      %add3A_265 = arith.constant 7 : i32
      %add3A_266 = arith.addi %mul3A_264, %add3A_265 : i32
      %add3A_267 = vector.broadcast %add3A_266 : i32 to vector<16xi32>
      %add3A_268 = arith.addi %broadcast_in_dim3A_1, %add3A_267 : vector<16xi32>
      %gather3A_269 = tpu.vector_load_idx %arg6[%iota3A, %add3A_262] : memref<32x2944xf32, #tpu.memory_space<vmem>>[vector<16xi32>, vector<16xi32>], vector<16xf32>,
      %add3A_270 = arith.constant 16 : i32
      %add3A_271 = vector.broadcast %add3A_270 : i32 to vector<16xi32>
      %add3A_272 = arith.addi %iota3A, %add3A_271 : vector<16xi32>
      %gather3A_273 = tpu.vector_load_idx %arg6[%add3A_272, %add3A_262] : memref<32x2944xf32, #tpu.memory_space<vmem>>[vector<16xi32>, vector<16xi32>], vector<16xf32>,
      tpu.vector_store_idx %arg7[%iota3A, %add3A_268], %gather3A_269 : memref<32x1024xf32, #tpu.memory_space<vmem>>[vector<16xi32>, vector<16xi32>], vector<16xf32>,
      %add3A_274 = arith.constant 16 : i32
      %add3A_275 = vector.broadcast %add3A_274 : i32 to vector<16xi32>
      %add3A_276 = arith.addi %iota3A, %add3A_275 : vector<16xi32>
      tpu.vector_store_idx %arg7[%add3A_276, %add3A_268], %gather3A_273 : memref<32x1024xf32, #tpu.memory_space<vmem>>[vector<16xi32>, vector<16xi32>], vector<16xf32>,
      %slice3A_277 = vector.extract_strided_slice %get3A_14 {offsets = [8], sizes = [1], strides = [1]} : vector<16xi32> to vector<1xi32>
      %squeeze3A_278 = vector.extract %slice3A_277[0] : i32 from vector<1xi32>
      %mul3A_279 = arith.constant 128 : i32
      %mul3A_280 = arith.muli %select_n3A_254, %mul3A_279 : i32
      %sub3A_281 = arith.subi %squeeze3A_278, %mul3A_280 : i32
      %ge3A_282 = arith.constant 2944 : i32
      %ge3A_283 = arith.cmpi sge, %sub3A_281, %ge3A_282 : i32
      %shift_right_logical3A_284 = arith.constant 7 : i32
      %shift_right_logical3A_285 = arith.shrui %squeeze3A_278, %shift_right_logical3A_284 : i32
      %min3A_286 = arith.constant 7790 : i32
      %min3A_287 = arith.minsi %shift_right_logical3A_285, %min3A_286 : i32
      %select_n3A_288 = arith.select %ge3A_283, %min3A_287, %select_n3A_254 : i32
      %convert_element_type3A_289 = arith.extui %ge3A_283 : i1 to i32
      %cond3A_290 = arith.constant 0 : i32
      %cond3A_291 = arith.cmpi ne, %convert_element_type3A_289, %cond3A_290 : i32
      scf.if %cond3A_291 {
        %mul3A_549 = arith.constant 128 : i32
        %mul3A_550 = arith.muli %select_n3A_288, %mul3A_549 : i32
        %multiple_of3A = tpu.assume_multiple %mul3A_550, 128 : i32
        "tpu.region"() ({
          %run_scoped3A = tpu.sem_alloc : memref<!tpu.dma_semaphore, #tpu.memory_space<semaphore_mem>>
          %dma_start3A = arith.constant 0 : i32
          %dma_start3A_551 = tpu.memref_slice %arg2[%dma_start3A, %multiple_of3A] : memref<32x1000000xf32, #tpu.memory_space<hbm>> -> memref<32x2944xf32, #tpu.memory_space<hbm>>
          %dma_start3A_552 = arith.constant 0 : i32
          %dma_start3A_553 = tpu.memref_slice %arg2[%dma_start3A_552, %multiple_of3A] : memref<32x1000000xf32, #tpu.memory_space<hbm>> -> memref<32x2944xf32, #tpu.memory_space<hbm>>
          tpu.enqueue_dma source(%dma_start3A_553 : memref<32x2944xf32, #tpu.memory_space<hbm>>) target(%arg6 : memref<32x2944xf32, #tpu.memory_space<vmem>>) target_semaphore(%run_scoped3A : memref<!tpu.dma_semaphore, #tpu.memory_space<semaphore_mem>>)
          %dma_wait3A = arith.constant 0 : i32
          %dma_wait3A_554 = tpu.memref_slice %arg2[%dma_wait3A, %multiple_of3A] : memref<32x1000000xf32, #tpu.memory_space<hbm>> -> memref<32x2944xf32, #tpu.memory_space<hbm>>
          %dma_wait3A_555 = arith.constant 0 : i32
          %dma_wait3A_556 = tpu.memref_slice %arg2[%dma_wait3A_555, %multiple_of3A] : memref<32x1000000xf32, #tpu.memory_space<hbm>> -> memref<32x2944xf32, #tpu.memory_space<hbm>>
          tpu.wait_dma2 semaphore(%run_scoped3A : memref<!tpu.dma_semaphore, #tpu.memory_space<semaphore_mem>>) src(%dma_wait3A_556 : memref<32x2944xf32, #tpu.memory_space<hbm>>) dst(%arg6 : memref<32x2944xf32, #tpu.memory_space<vmem>>)
          tpu.yield
        }) : () -> ()
      } else {
      }
      %mul3A_292 = arith.constant 128 : i32
      %mul3A_293 = arith.muli %select_n3A_288, %mul3A_292 : i32
      %sub3A_294 = arith.subi %squeeze3A_278, %mul3A_293 : i32
      %add3A_295 = vector.broadcast %sub3A_294 : i32 to vector<16xi32>
      %add3A_296 = arith.addi %broadcast_in_dim3A_1, %add3A_295 : vector<16xi32>
      %mul3A_297 = arith.constant 16 : i32
      %mul3A_298 = arith.muli %scan3A_10, %mul3A_297 : i32
      %add3A_299 = arith.constant 8 : i32
      %add3A_300 = arith.addi %mul3A_298, %add3A_299 : i32
      %add3A_301 = vector.broadcast %add3A_300 : i32 to vector<16xi32>
      %add3A_302 = arith.addi %broadcast_in_dim3A_1, %add3A_301 : vector<16xi32>
      %gather3A_303 = tpu.vector_load_idx %arg6[%iota3A, %add3A_296] : memref<32x2944xf32, #tpu.memory_space<vmem>>[vector<16xi32>, vector<16xi32>], vector<16xf32>,
      %add3A_304 = arith.constant 16 : i32
      %add3A_305 = vector.broadcast %add3A_304 : i32 to vector<16xi32>
      %add3A_306 = arith.addi %iota3A, %add3A_305 : vector<16xi32>
      %gather3A_307 = tpu.vector_load_idx %arg6[%add3A_306, %add3A_296] : memref<32x2944xf32, #tpu.memory_space<vmem>>[vector<16xi32>, vector<16xi32>], vector<16xf32>,
      tpu.vector_store_idx %arg7[%iota3A, %add3A_302], %gather3A_303 : memref<32x1024xf32, #tpu.memory_space<vmem>>[vector<16xi32>, vector<16xi32>], vector<16xf32>,
      %add3A_308 = arith.constant 16 : i32
      %add3A_309 = vector.broadcast %add3A_308 : i32 to vector<16xi32>
      %add3A_310 = arith.addi %iota3A, %add3A_309 : vector<16xi32>
      tpu.vector_store_idx %arg7[%add3A_310, %add3A_302], %gather3A_307 : memref<32x1024xf32, #tpu.memory_space<vmem>>[vector<16xi32>, vector<16xi32>], vector<16xf32>,
      %slice3A_311 = vector.extract_strided_slice %get3A_14 {offsets = [9], sizes = [1], strides = [1]} : vector<16xi32> to vector<1xi32>
      %squeeze3A_312 = vector.extract %slice3A_311[0] : i32 from vector<1xi32>
      %mul3A_313 = arith.constant 128 : i32
      %mul3A_314 = arith.muli %select_n3A_288, %mul3A_313 : i32
      %sub3A_315 = arith.subi %squeeze3A_312, %mul3A_314 : i32
      %ge3A_316 = arith.constant 2944 : i32
      %ge3A_317 = arith.cmpi sge, %sub3A_315, %ge3A_316 : i32
      %shift_right_logical3A_318 = arith.constant 7 : i32
      %shift_right_logical3A_319 = arith.shrui %squeeze3A_312, %shift_right_logical3A_318 : i32
      %min3A_320 = arith.constant 7790 : i32
      %min3A_321 = arith.minsi %shift_right_logical3A_319, %min3A_320 : i32
      %select_n3A_322 = arith.select %ge3A_317, %min3A_321, %select_n3A_288 : i32
      %convert_element_type3A_323 = arith.extui %ge3A_317 : i1 to i32
      %cond3A_324 = arith.constant 0 : i32
      %cond3A_325 = arith.cmpi ne, %convert_element_type3A_323, %cond3A_324 : i32
      scf.if %cond3A_325 {
        %mul3A_549 = arith.constant 128 : i32
        %mul3A_550 = arith.muli %select_n3A_322, %mul3A_549 : i32
        %multiple_of3A = tpu.assume_multiple %mul3A_550, 128 : i32
        "tpu.region"() ({
          %run_scoped3A = tpu.sem_alloc : memref<!tpu.dma_semaphore, #tpu.memory_space<semaphore_mem>>
          %dma_start3A = arith.constant 0 : i32
          %dma_start3A_551 = tpu.memref_slice %arg2[%dma_start3A, %multiple_of3A] : memref<32x1000000xf32, #tpu.memory_space<hbm>> -> memref<32x2944xf32, #tpu.memory_space<hbm>>
          %dma_start3A_552 = arith.constant 0 : i32
          %dma_start3A_553 = tpu.memref_slice %arg2[%dma_start3A_552, %multiple_of3A] : memref<32x1000000xf32, #tpu.memory_space<hbm>> -> memref<32x2944xf32, #tpu.memory_space<hbm>>
          tpu.enqueue_dma source(%dma_start3A_553 : memref<32x2944xf32, #tpu.memory_space<hbm>>) target(%arg6 : memref<32x2944xf32, #tpu.memory_space<vmem>>) target_semaphore(%run_scoped3A : memref<!tpu.dma_semaphore, #tpu.memory_space<semaphore_mem>>)
          %dma_wait3A = arith.constant 0 : i32
          %dma_wait3A_554 = tpu.memref_slice %arg2[%dma_wait3A, %multiple_of3A] : memref<32x1000000xf32, #tpu.memory_space<hbm>> -> memref<32x2944xf32, #tpu.memory_space<hbm>>
          %dma_wait3A_555 = arith.constant 0 : i32
          %dma_wait3A_556 = tpu.memref_slice %arg2[%dma_wait3A_555, %multiple_of3A] : memref<32x1000000xf32, #tpu.memory_space<hbm>> -> memref<32x2944xf32, #tpu.memory_space<hbm>>
          tpu.wait_dma2 semaphore(%run_scoped3A : memref<!tpu.dma_semaphore, #tpu.memory_space<semaphore_mem>>) src(%dma_wait3A_556 : memref<32x2944xf32, #tpu.memory_space<hbm>>) dst(%arg6 : memref<32x2944xf32, #tpu.memory_space<vmem>>)
          tpu.yield
        }) : () -> ()
      } else {
      }
      %mul3A_326 = arith.constant 128 : i32
      %mul3A_327 = arith.muli %select_n3A_322, %mul3A_326 : i32
      %sub3A_328 = arith.subi %squeeze3A_312, %mul3A_327 : i32
      %add3A_329 = vector.broadcast %sub3A_328 : i32 to vector<16xi32>
      %add3A_330 = arith.addi %broadcast_in_dim3A_1, %add3A_329 : vector<16xi32>
      %mul3A_331 = arith.constant 16 : i32
      %mul3A_332 = arith.muli %scan3A_10, %mul3A_331 : i32
      %add3A_333 = arith.constant 9 : i32
      %add3A_334 = arith.addi %mul3A_332, %add3A_333 : i32
      %add3A_335 = vector.broadcast %add3A_334 : i32 to vector<16xi32>
      %add3A_336 = arith.addi %broadcast_in_dim3A_1, %add3A_335 : vector<16xi32>
      %gather3A_337 = tpu.vector_load_idx %arg6[%iota3A, %add3A_330] : memref<32x2944xf32, #tpu.memory_space<vmem>>[vector<16xi32>, vector<16xi32>], vector<16xf32>,
      %add3A_338 = arith.constant 16 : i32
      %add3A_339 = vector.broadcast %add3A_338 : i32 to vector<16xi32>
      %add3A_340 = arith.addi %iota3A, %add3A_339 : vector<16xi32>
      %gather3A_341 = tpu.vector_load_idx %arg6[%add3A_340, %add3A_330] : memref<32x2944xf32, #tpu.memory_space<vmem>>[vector<16xi32>, vector<16xi32>], vector<16xf32>,
      tpu.vector_store_idx %arg7[%iota3A, %add3A_336], %gather3A_337 : memref<32x1024xf32, #tpu.memory_space<vmem>>[vector<16xi32>, vector<16xi32>], vector<16xf32>,
      %add3A_342 = arith.constant 16 : i32
      %add3A_343 = vector.broadcast %add3A_342 : i32 to vector<16xi32>
      %add3A_344 = arith.addi %iota3A, %add3A_343 : vector<16xi32>
      tpu.vector_store_idx %arg7[%add3A_344, %add3A_336], %gather3A_341 : memref<32x1024xf32, #tpu.memory_space<vmem>>[vector<16xi32>, vector<16xi32>], vector<16xf32>,
      %slice3A_345 = vector.extract_strided_slice %get3A_14 {offsets = [10], sizes = [1], strides = [1]} : vector<16xi32> to vector<1xi32>
      %squeeze3A_346 = vector.extract %slice3A_345[0] : i32 from vector<1xi32>
      %mul3A_347 = arith.constant 128 : i32
      %mul3A_348 = arith.muli %select_n3A_322, %mul3A_347 : i32
      %sub3A_349 = arith.subi %squeeze3A_346, %mul3A_348 : i32
      %ge3A_350 = arith.constant 2944 : i32
      %ge3A_351 = arith.cmpi sge, %sub3A_349, %ge3A_350 : i32
      %shift_right_logical3A_352 = arith.constant 7 : i32
      %shift_right_logical3A_353 = arith.shrui %squeeze3A_346, %shift_right_logical3A_352 : i32
      %min3A_354 = arith.constant 7790 : i32
      %min3A_355 = arith.minsi %shift_right_logical3A_353, %min3A_354 : i32
      %select_n3A_356 = arith.select %ge3A_351, %min3A_355, %select_n3A_322 : i32
      %convert_element_type3A_357 = arith.extui %ge3A_351 : i1 to i32
      %cond3A_358 = arith.constant 0 : i32
      %cond3A_359 = arith.cmpi ne, %convert_element_type3A_357, %cond3A_358 : i32
      scf.if %cond3A_359 {
        %mul3A_549 = arith.constant 128 : i32
        %mul3A_550 = arith.muli %select_n3A_356, %mul3A_549 : i32
        %multiple_of3A = tpu.assume_multiple %mul3A_550, 128 : i32
        "tpu.region"() ({
          %run_scoped3A = tpu.sem_alloc : memref<!tpu.dma_semaphore, #tpu.memory_space<semaphore_mem>>
          %dma_start3A = arith.constant 0 : i32
          %dma_start3A_551 = tpu.memref_slice %arg2[%dma_start3A, %multiple_of3A] : memref<32x1000000xf32, #tpu.memory_space<hbm>> -> memref<32x2944xf32, #tpu.memory_space<hbm>>
          %dma_start3A_552 = arith.constant 0 : i32
          %dma_start3A_553 = tpu.memref_slice %arg2[%dma_start3A_552, %multiple_of3A] : memref<32x1000000xf32, #tpu.memory_space<hbm>> -> memref<32x2944xf32, #tpu.memory_space<hbm>>
          tpu.enqueue_dma source(%dma_start3A_553 : memref<32x2944xf32, #tpu.memory_space<hbm>>) target(%arg6 : memref<32x2944xf32, #tpu.memory_space<vmem>>) target_semaphore(%run_scoped3A : memref<!tpu.dma_semaphore, #tpu.memory_space<semaphore_mem>>)
          %dma_wait3A = arith.constant 0 : i32
          %dma_wait3A_554 = tpu.memref_slice %arg2[%dma_wait3A, %multiple_of3A] : memref<32x1000000xf32, #tpu.memory_space<hbm>> -> memref<32x2944xf32, #tpu.memory_space<hbm>>
          %dma_wait3A_555 = arith.constant 0 : i32
          %dma_wait3A_556 = tpu.memref_slice %arg2[%dma_wait3A_555, %multiple_of3A] : memref<32x1000000xf32, #tpu.memory_space<hbm>> -> memref<32x2944xf32, #tpu.memory_space<hbm>>
          tpu.wait_dma2 semaphore(%run_scoped3A : memref<!tpu.dma_semaphore, #tpu.memory_space<semaphore_mem>>) src(%dma_wait3A_556 : memref<32x2944xf32, #tpu.memory_space<hbm>>) dst(%arg6 : memref<32x2944xf32, #tpu.memory_space<vmem>>)
          tpu.yield
        }) : () -> ()
      } else {
      }
      %mul3A_360 = arith.constant 128 : i32
      %mul3A_361 = arith.muli %select_n3A_356, %mul3A_360 : i32
      %sub3A_362 = arith.subi %squeeze3A_346, %mul3A_361 : i32
      %add3A_363 = vector.broadcast %sub3A_362 : i32 to vector<16xi32>
      %add3A_364 = arith.addi %broadcast_in_dim3A_1, %add3A_363 : vector<16xi32>
      %mul3A_365 = arith.constant 16 : i32
      %mul3A_366 = arith.muli %scan3A_10, %mul3A_365 : i32
      %add3A_367 = arith.constant 10 : i32
      %add3A_368 = arith.addi %mul3A_366, %add3A_367 : i32
      %add3A_369 = vector.broadcast %add3A_368 : i32 to vector<16xi32>
      %add3A_370 = arith.addi %broadcast_in_dim3A_1, %add3A_369 : vector<16xi32>
      %gather3A_371 = tpu.vector_load_idx %arg6[%iota3A, %add3A_364] : memref<32x2944xf32, #tpu.memory_space<vmem>>[vector<16xi32>, vector<16xi32>], vector<16xf32>,
      %add3A_372 = arith.constant 16 : i32
      %add3A_373 = vector.broadcast %add3A_372 : i32 to vector<16xi32>
      %add3A_374 = arith.addi %iota3A, %add3A_373 : vector<16xi32>
      %gather3A_375 = tpu.vector_load_idx %arg6[%add3A_374, %add3A_364] : memref<32x2944xf32, #tpu.memory_space<vmem>>[vector<16xi32>, vector<16xi32>], vector<16xf32>,
      tpu.vector_store_idx %arg7[%iota3A, %add3A_370], %gather3A_371 : memref<32x1024xf32, #tpu.memory_space<vmem>>[vector<16xi32>, vector<16xi32>], vector<16xf32>,
      %add3A_376 = arith.constant 16 : i32
      %add3A_377 = vector.broadcast %add3A_376 : i32 to vector<16xi32>
      %add3A_378 = arith.addi %iota3A, %add3A_377 : vector<16xi32>
      tpu.vector_store_idx %arg7[%add3A_378, %add3A_370], %gather3A_375 : memref<32x1024xf32, #tpu.memory_space<vmem>>[vector<16xi32>, vector<16xi32>], vector<16xf32>,
      %slice3A_379 = vector.extract_strided_slice %get3A_14 {offsets = [11], sizes = [1], strides = [1]} : vector<16xi32> to vector<1xi32>
      %squeeze3A_380 = vector.extract %slice3A_379[0] : i32 from vector<1xi32>
      %mul3A_381 = arith.constant 128 : i32
      %mul3A_382 = arith.muli %select_n3A_356, %mul3A_381 : i32
      %sub3A_383 = arith.subi %squeeze3A_380, %mul3A_382 : i32
      %ge3A_384 = arith.constant 2944 : i32
      %ge3A_385 = arith.cmpi sge, %sub3A_383, %ge3A_384 : i32
      %shift_right_logical3A_386 = arith.constant 7 : i32
      %shift_right_logical3A_387 = arith.shrui %squeeze3A_380, %shift_right_logical3A_386 : i32
      %min3A_388 = arith.constant 7790 : i32
      %min3A_389 = arith.minsi %shift_right_logical3A_387, %min3A_388 : i32
      %select_n3A_390 = arith.select %ge3A_385, %min3A_389, %select_n3A_356 : i32
      %convert_element_type3A_391 = arith.extui %ge3A_385 : i1 to i32
      %cond3A_392 = arith.constant 0 : i32
      %cond3A_393 = arith.cmpi ne, %convert_element_type3A_391, %cond3A_392 : i32
      scf.if %cond3A_393 {
        %mul3A_549 = arith.constant 128 : i32
        %mul3A_550 = arith.muli %select_n3A_390, %mul3A_549 : i32
        %multiple_of3A = tpu.assume_multiple %mul3A_550, 128 : i32
        "tpu.region"() ({
          %run_scoped3A = tpu.sem_alloc : memref<!tpu.dma_semaphore, #tpu.memory_space<semaphore_mem>>
          %dma_start3A = arith.constant 0 : i32
          %dma_start3A_551 = tpu.memref_slice %arg2[%dma_start3A, %multiple_of3A] : memref<32x1000000xf32, #tpu.memory_space<hbm>> -> memref<32x2944xf32, #tpu.memory_space<hbm>>
          %dma_start3A_552 = arith.constant 0 : i32
          %dma_start3A_553 = tpu.memref_slice %arg2[%dma_start3A_552, %multiple_of3A] : memref<32x1000000xf32, #tpu.memory_space<hbm>> -> memref<32x2944xf32, #tpu.memory_space<hbm>>
          tpu.enqueue_dma source(%dma_start3A_553 : memref<32x2944xf32, #tpu.memory_space<hbm>>) target(%arg6 : memref<32x2944xf32, #tpu.memory_space<vmem>>) target_semaphore(%run_scoped3A : memref<!tpu.dma_semaphore, #tpu.memory_space<semaphore_mem>>)
          %dma_wait3A = arith.constant 0 : i32
          %dma_wait3A_554 = tpu.memref_slice %arg2[%dma_wait3A, %multiple_of3A] : memref<32x1000000xf32, #tpu.memory_space<hbm>> -> memref<32x2944xf32, #tpu.memory_space<hbm>>
          %dma_wait3A_555 = arith.constant 0 : i32
          %dma_wait3A_556 = tpu.memref_slice %arg2[%dma_wait3A_555, %multiple_of3A] : memref<32x1000000xf32, #tpu.memory_space<hbm>> -> memref<32x2944xf32, #tpu.memory_space<hbm>>
          tpu.wait_dma2 semaphore(%run_scoped3A : memref<!tpu.dma_semaphore, #tpu.memory_space<semaphore_mem>>) src(%dma_wait3A_556 : memref<32x2944xf32, #tpu.memory_space<hbm>>) dst(%arg6 : memref<32x2944xf32, #tpu.memory_space<vmem>>)
          tpu.yield
        }) : () -> ()
      } else {
      }
      %mul3A_394 = arith.constant 128 : i32
      %mul3A_395 = arith.muli %select_n3A_390, %mul3A_394 : i32
      %sub3A_396 = arith.subi %squeeze3A_380, %mul3A_395 : i32
      %add3A_397 = vector.broadcast %sub3A_396 : i32 to vector<16xi32>
      %add3A_398 = arith.addi %broadcast_in_dim3A_1, %add3A_397 : vector<16xi32>
      %mul3A_399 = arith.constant 16 : i32
      %mul3A_400 = arith.muli %scan3A_10, %mul3A_399 : i32
      %add3A_401 = arith.constant 11 : i32
      %add3A_402 = arith.addi %mul3A_400, %add3A_401 : i32
      %add3A_403 = vector.broadcast %add3A_402 : i32 to vector<16xi32>
      %add3A_404 = arith.addi %broadcast_in_dim3A_1, %add3A_403 : vector<16xi32>
      %gather3A_405 = tpu.vector_load_idx %arg6[%iota3A, %add3A_398] : memref<32x2944xf32, #tpu.memory_space<vmem>>[vector<16xi32>, vector<16xi32>], vector<16xf32>,
      %add3A_406 = arith.constant 16 : i32
      %add3A_407 = vector.broadcast %add3A_406 : i32 to vector<16xi32>
      %add3A_408 = arith.addi %iota3A, %add3A_407 : vector<16xi32>
      %gather3A_409 = tpu.vector_load_idx %arg6[%add3A_408, %add3A_398] : memref<32x2944xf32, #tpu.memory_space<vmem>>[vector<16xi32>, vector<16xi32>], vector<16xf32>,
      tpu.vector_store_idx %arg7[%iota3A, %add3A_404], %gather3A_405 : memref<32x1024xf32, #tpu.memory_space<vmem>>[vector<16xi32>, vector<16xi32>], vector<16xf32>,
      %add3A_410 = arith.constant 16 : i32
      %add3A_411 = vector.broadcast %add3A_410 : i32 to vector<16xi32>
      %add3A_412 = arith.addi %iota3A, %add3A_411 : vector<16xi32>
      tpu.vector_store_idx %arg7[%add3A_412, %add3A_404], %gather3A_409 : memref<32x1024xf32, #tpu.memory_space<vmem>>[vector<16xi32>, vector<16xi32>], vector<16xf32>,
      %slice3A_413 = vector.extract_strided_slice %get3A_14 {offsets = [12], sizes = [1], strides = [1]} : vector<16xi32> to vector<1xi32>
      %squeeze3A_414 = vector.extract %slice3A_413[0] : i32 from vector<1xi32>
      %mul3A_415 = arith.constant 128 : i32
      %mul3A_416 = arith.muli %select_n3A_390, %mul3A_415 : i32
      %sub3A_417 = arith.subi %squeeze3A_414, %mul3A_416 : i32
      %ge3A_418 = arith.constant 2944 : i32
      %ge3A_419 = arith.cmpi sge, %sub3A_417, %ge3A_418 : i32
      %shift_right_logical3A_420 = arith.constant 7 : i32
      %shift_right_logical3A_421 = arith.shrui %squeeze3A_414, %shift_right_logical3A_420 : i32
      %min3A_422 = arith.constant 7790 : i32
      %min3A_423 = arith.minsi %shift_right_logical3A_421, %min3A_422 : i32
      %select_n3A_424 = arith.select %ge3A_419, %min3A_423, %select_n3A_390 : i32
      %convert_element_type3A_425 = arith.extui %ge3A_419 : i1 to i32
      %cond3A_426 = arith.constant 0 : i32
      %cond3A_427 = arith.cmpi ne, %convert_element_type3A_425, %cond3A_426 : i32
      scf.if %cond3A_427 {
        %mul3A_549 = arith.constant 128 : i32
        %mul3A_550 = arith.muli %select_n3A_424, %mul3A_549 : i32
        %multiple_of3A = tpu.assume_multiple %mul3A_550, 128 : i32
        "tpu.region"() ({
          %run_scoped3A = tpu.sem_alloc : memref<!tpu.dma_semaphore, #tpu.memory_space<semaphore_mem>>
          %dma_start3A = arith.constant 0 : i32
          %dma_start3A_551 = tpu.memref_slice %arg2[%dma_start3A, %multiple_of3A] : memref<32x1000000xf32, #tpu.memory_space<hbm>> -> memref<32x2944xf32, #tpu.memory_space<hbm>>
          %dma_start3A_552 = arith.constant 0 : i32
          %dma_start3A_553 = tpu.memref_slice %arg2[%dma_start3A_552, %multiple_of3A] : memref<32x1000000xf32, #tpu.memory_space<hbm>> -> memref<32x2944xf32, #tpu.memory_space<hbm>>
          tpu.enqueue_dma source(%dma_start3A_553 : memref<32x2944xf32, #tpu.memory_space<hbm>>) target(%arg6 : memref<32x2944xf32, #tpu.memory_space<vmem>>) target_semaphore(%run_scoped3A : memref<!tpu.dma_semaphore, #tpu.memory_space<semaphore_mem>>)
          %dma_wait3A = arith.constant 0 : i32
          %dma_wait3A_554 = tpu.memref_slice %arg2[%dma_wait3A, %multiple_of3A] : memref<32x1000000xf32, #tpu.memory_space<hbm>> -> memref<32x2944xf32, #tpu.memory_space<hbm>>
          %dma_wait3A_555 = arith.constant 0 : i32
          %dma_wait3A_556 = tpu.memref_slice %arg2[%dma_wait3A_555, %multiple_of3A] : memref<32x1000000xf32, #tpu.memory_space<hbm>> -> memref<32x2944xf32, #tpu.memory_space<hbm>>
          tpu.wait_dma2 semaphore(%run_scoped3A : memref<!tpu.dma_semaphore, #tpu.memory_space<semaphore_mem>>) src(%dma_wait3A_556 : memref<32x2944xf32, #tpu.memory_space<hbm>>) dst(%arg6 : memref<32x2944xf32, #tpu.memory_space<vmem>>)
          tpu.yield
        }) : () -> ()
      } else {
      }
      %mul3A_428 = arith.constant 128 : i32
      %mul3A_429 = arith.muli %select_n3A_424, %mul3A_428 : i32
      %sub3A_430 = arith.subi %squeeze3A_414, %mul3A_429 : i32
      %add3A_431 = vector.broadcast %sub3A_430 : i32 to vector<16xi32>
      %add3A_432 = arith.addi %broadcast_in_dim3A_1, %add3A_431 : vector<16xi32>
      %mul3A_433 = arith.constant 16 : i32
      %mul3A_434 = arith.muli %scan3A_10, %mul3A_433 : i32
      %add3A_435 = arith.constant 12 : i32
      %add3A_436 = arith.addi %mul3A_434, %add3A_435 : i32
      %add3A_437 = vector.broadcast %add3A_436 : i32 to vector<16xi32>
      %add3A_438 = arith.addi %broadcast_in_dim3A_1, %add3A_437 : vector<16xi32>
      %gather3A_439 = tpu.vector_load_idx %arg6[%iota3A, %add3A_432] : memref<32x2944xf32, #tpu.memory_space<vmem>>[vector<16xi32>, vector<16xi32>], vector<16xf32>,
      %add3A_440 = arith.constant 16 : i32
      %add3A_441 = vector.broadcast %add3A_440 : i32 to vector<16xi32>
      %add3A_442 = arith.addi %iota3A, %add3A_441 : vector<16xi32>
      %gather3A_443 = tpu.vector_load_idx %arg6[%add3A_442, %add3A_432] : memref<32x2944xf32, #tpu.memory_space<vmem>>[vector<16xi32>, vector<16xi32>], vector<16xf32>,
      tpu.vector_store_idx %arg7[%iota3A, %add3A_438], %gather3A_439 : memref<32x1024xf32, #tpu.memory_space<vmem>>[vector<16xi32>, vector<16xi32>], vector<16xf32>,
      %add3A_444 = arith.constant 16 : i32
      %add3A_445 = vector.broadcast %add3A_444 : i32 to vector<16xi32>
      %add3A_446 = arith.addi %iota3A, %add3A_445 : vector<16xi32>
      tpu.vector_store_idx %arg7[%add3A_446, %add3A_438], %gather3A_443 : memref<32x1024xf32, #tpu.memory_space<vmem>>[vector<16xi32>, vector<16xi32>], vector<16xf32>,
      %slice3A_447 = vector.extract_strided_slice %get3A_14 {offsets = [13], sizes = [1], strides = [1]} : vector<16xi32> to vector<1xi32>
      %squeeze3A_448 = vector.extract %slice3A_447[0] : i32 from vector<1xi32>
      %mul3A_449 = arith.constant 128 : i32
      %mul3A_450 = arith.muli %select_n3A_424, %mul3A_449 : i32
      %sub3A_451 = arith.subi %squeeze3A_448, %mul3A_450 : i32
      %ge3A_452 = arith.constant 2944 : i32
      %ge3A_453 = arith.cmpi sge, %sub3A_451, %ge3A_452 : i32
      %shift_right_logical3A_454 = arith.constant 7 : i32
      %shift_right_logical3A_455 = arith.shrui %squeeze3A_448, %shift_right_logical3A_454 : i32
      %min3A_456 = arith.constant 7790 : i32
      %min3A_457 = arith.minsi %shift_right_logical3A_455, %min3A_456 : i32
      %select_n3A_458 = arith.select %ge3A_453, %min3A_457, %select_n3A_424 : i32
      %convert_element_type3A_459 = arith.extui %ge3A_453 : i1 to i32
      %cond3A_460 = arith.constant 0 : i32
      %cond3A_461 = arith.cmpi ne, %convert_element_type3A_459, %cond3A_460 : i32
      scf.if %cond3A_461 {
        %mul3A_549 = arith.constant 128 : i32
        %mul3A_550 = arith.muli %select_n3A_458, %mul3A_549 : i32
        %multiple_of3A = tpu.assume_multiple %mul3A_550, 128 : i32
        "tpu.region"() ({
          %run_scoped3A = tpu.sem_alloc : memref<!tpu.dma_semaphore, #tpu.memory_space<semaphore_mem>>
          %dma_start3A = arith.constant 0 : i32
          %dma_start3A_551 = tpu.memref_slice %arg2[%dma_start3A, %multiple_of3A] : memref<32x1000000xf32, #tpu.memory_space<hbm>> -> memref<32x2944xf32, #tpu.memory_space<hbm>>
          %dma_start3A_552 = arith.constant 0 : i32
          %dma_start3A_553 = tpu.memref_slice %arg2[%dma_start3A_552, %multiple_of3A] : memref<32x1000000xf32, #tpu.memory_space<hbm>> -> memref<32x2944xf32, #tpu.memory_space<hbm>>
          tpu.enqueue_dma source(%dma_start3A_553 : memref<32x2944xf32, #tpu.memory_space<hbm>>) target(%arg6 : memref<32x2944xf32, #tpu.memory_space<vmem>>) target_semaphore(%run_scoped3A : memref<!tpu.dma_semaphore, #tpu.memory_space<semaphore_mem>>)
          %dma_wait3A = arith.constant 0 : i32
          %dma_wait3A_554 = tpu.memref_slice %arg2[%dma_wait3A, %multiple_of3A] : memref<32x1000000xf32, #tpu.memory_space<hbm>> -> memref<32x2944xf32, #tpu.memory_space<hbm>>
          %dma_wait3A_555 = arith.constant 0 : i32
          %dma_wait3A_556 = tpu.memref_slice %arg2[%dma_wait3A_555, %multiple_of3A] : memref<32x1000000xf32, #tpu.memory_space<hbm>> -> memref<32x2944xf32, #tpu.memory_space<hbm>>
          tpu.wait_dma2 semaphore(%run_scoped3A : memref<!tpu.dma_semaphore, #tpu.memory_space<semaphore_mem>>) src(%dma_wait3A_556 : memref<32x2944xf32, #tpu.memory_space<hbm>>) dst(%arg6 : memref<32x2944xf32, #tpu.memory_space<vmem>>)
          tpu.yield
        }) : () -> ()
      } else {
      }
      %mul3A_462 = arith.constant 128 : i32
      %mul3A_463 = arith.muli %select_n3A_458, %mul3A_462 : i32
      %sub3A_464 = arith.subi %squeeze3A_448, %mul3A_463 : i32
      %add3A_465 = vector.broadcast %sub3A_464 : i32 to vector<16xi32>
      %add3A_466 = arith.addi %broadcast_in_dim3A_1, %add3A_465 : vector<16xi32>
      %mul3A_467 = arith.constant 16 : i32
      %mul3A_468 = arith.muli %scan3A_10, %mul3A_467 : i32
      %add3A_469 = arith.constant 13 : i32
      %add3A_470 = arith.addi %mul3A_468, %add3A_469 : i32
      %add3A_471 = vector.broadcast %add3A_470 : i32 to vector<16xi32>
      %add3A_472 = arith.addi %broadcast_in_dim3A_1, %add3A_471 : vector<16xi32>
      %gather3A_473 = tpu.vector_load_idx %arg6[%iota3A, %add3A_466] : memref<32x2944xf32, #tpu.memory_space<vmem>>[vector<16xi32>, vector<16xi32>], vector<16xf32>,
      %add3A_474 = arith.constant 16 : i32
      %add3A_475 = vector.broadcast %add3A_474 : i32 to vector<16xi32>
      %add3A_476 = arith.addi %iota3A, %add3A_475 : vector<16xi32>
      %gather3A_477 = tpu.vector_load_idx %arg6[%add3A_476, %add3A_466] : memref<32x2944xf32, #tpu.memory_space<vmem>>[vector<16xi32>, vector<16xi32>], vector<16xf32>,
      tpu.vector_store_idx %arg7[%iota3A, %add3A_472], %gather3A_473 : memref<32x1024xf32, #tpu.memory_space<vmem>>[vector<16xi32>, vector<16xi32>], vector<16xf32>,
      %add3A_478 = arith.constant 16 : i32
      %add3A_479 = vector.broadcast %add3A_478 : i32 to vector<16xi32>
      %add3A_480 = arith.addi %iota3A, %add3A_479 : vector<16xi32>
      tpu.vector_store_idx %arg7[%add3A_480, %add3A_472], %gather3A_477 : memref<32x1024xf32, #tpu.memory_space<vmem>>[vector<16xi32>, vector<16xi32>], vector<16xf32>,
      %slice3A_481 = vector.extract_strided_slice %get3A_14 {offsets = [14], sizes = [1], strides = [1]} : vector<16xi32> to vector<1xi32>
      %squeeze3A_482 = vector.extract %slice3A_481[0] : i32 from vector<1xi32>
      %mul3A_483 = arith.constant 128 : i32
      %mul3A_484 = arith.muli %select_n3A_458, %mul3A_483 : i32
      %sub3A_485 = arith.subi %squeeze3A_482, %mul3A_484 : i32
      %ge3A_486 = arith.constant 2944 : i32
      %ge3A_487 = arith.cmpi sge, %sub3A_485, %ge3A_486 : i32
      %shift_right_logical3A_488 = arith.constant 7 : i32
      %shift_right_logical3A_489 = arith.shrui %squeeze3A_482, %shift_right_logical3A_488 : i32
      %min3A_490 = arith.constant 7790 : i32
      %min3A_491 = arith.minsi %shift_right_logical3A_489, %min3A_490 : i32
      %select_n3A_492 = arith.select %ge3A_487, %min3A_491, %select_n3A_458 : i32
      %convert_element_type3A_493 = arith.extui %ge3A_487 : i1 to i32
      %cond3A_494 = arith.constant 0 : i32
      %cond3A_495 = arith.cmpi ne, %convert_element_type3A_493, %cond3A_494 : i32
      scf.if %cond3A_495 {
        %mul3A_549 = arith.constant 128 : i32
        %mul3A_550 = arith.muli %select_n3A_492, %mul3A_549 : i32
        %multiple_of3A = tpu.assume_multiple %mul3A_550, 128 : i32
        "tpu.region"() ({
          %run_scoped3A = tpu.sem_alloc : memref<!tpu.dma_semaphore, #tpu.memory_space<semaphore_mem>>
          %dma_start3A = arith.constant 0 : i32
          %dma_start3A_551 = tpu.memref_slice %arg2[%dma_start3A, %multiple_of3A] : memref<32x1000000xf32, #tpu.memory_space<hbm>> -> memref<32x2944xf32, #tpu.memory_space<hbm>>
          %dma_start3A_552 = arith.constant 0 : i32
          %dma_start3A_553 = tpu.memref_slice %arg2[%dma_start3A_552, %multiple_of3A] : memref<32x1000000xf32, #tpu.memory_space<hbm>> -> memref<32x2944xf32, #tpu.memory_space<hbm>>
          tpu.enqueue_dma source(%dma_start3A_553 : memref<32x2944xf32, #tpu.memory_space<hbm>>) target(%arg6 : memref<32x2944xf32, #tpu.memory_space<vmem>>) target_semaphore(%run_scoped3A : memref<!tpu.dma_semaphore, #tpu.memory_space<semaphore_mem>>)
          %dma_wait3A = arith.constant 0 : i32
          %dma_wait3A_554 = tpu.memref_slice %arg2[%dma_wait3A, %multiple_of3A] : memref<32x1000000xf32, #tpu.memory_space<hbm>> -> memref<32x2944xf32, #tpu.memory_space<hbm>>
          %dma_wait3A_555 = arith.constant 0 : i32
          %dma_wait3A_556 = tpu.memref_slice %arg2[%dma_wait3A_555, %multiple_of3A] : memref<32x1000000xf32, #tpu.memory_space<hbm>> -> memref<32x2944xf32, #tpu.memory_space<hbm>>
          tpu.wait_dma2 semaphore(%run_scoped3A : memref<!tpu.dma_semaphore, #tpu.memory_space<semaphore_mem>>) src(%dma_wait3A_556 : memref<32x2944xf32, #tpu.memory_space<hbm>>) dst(%arg6 : memref<32x2944xf32, #tpu.memory_space<vmem>>)
          tpu.yield
        }) : () -> ()
      } else {
      }
      %mul3A_496 = arith.constant 128 : i32
      %mul3A_497 = arith.muli %select_n3A_492, %mul3A_496 : i32
      %sub3A_498 = arith.subi %squeeze3A_482, %mul3A_497 : i32
      %add3A_499 = vector.broadcast %sub3A_498 : i32 to vector<16xi32>
      %add3A_500 = arith.addi %broadcast_in_dim3A_1, %add3A_499 : vector<16xi32>
      %mul3A_501 = arith.constant 16 : i32
      %mul3A_502 = arith.muli %scan3A_10, %mul3A_501 : i32
      %add3A_503 = arith.constant 14 : i32
      %add3A_504 = arith.addi %mul3A_502, %add3A_503 : i32
      %add3A_505 = vector.broadcast %add3A_504 : i32 to vector<16xi32>
      %add3A_506 = arith.addi %broadcast_in_dim3A_1, %add3A_505 : vector<16xi32>
      %gather3A_507 = tpu.vector_load_idx %arg6[%iota3A, %add3A_500] : memref<32x2944xf32, #tpu.memory_space<vmem>>[vector<16xi32>, vector<16xi32>], vector<16xf32>,
      %add3A_508 = arith.constant 16 : i32
      %add3A_509 = vector.broadcast %add3A_508 : i32 to vector<16xi32>
      %add3A_510 = arith.addi %iota3A, %add3A_509 : vector<16xi32>
      %gather3A_511 = tpu.vector_load_idx %arg6[%add3A_510, %add3A_500] : memref<32x2944xf32, #tpu.memory_space<vmem>>[vector<16xi32>, vector<16xi32>], vector<16xf32>,
      tpu.vector_store_idx %arg7[%iota3A, %add3A_506], %gather3A_507 : memref<32x1024xf32, #tpu.memory_space<vmem>>[vector<16xi32>, vector<16xi32>], vector<16xf32>,
      %add3A_512 = arith.constant 16 : i32
      %add3A_513 = vector.broadcast %add3A_512 : i32 to vector<16xi32>
      %add3A_514 = arith.addi %iota3A, %add3A_513 : vector<16xi32>
      tpu.vector_store_idx %arg7[%add3A_514, %add3A_506], %gather3A_511 : memref<32x1024xf32, #tpu.memory_space<vmem>>[vector<16xi32>, vector<16xi32>], vector<16xf32>,
      %slice3A_515 = vector.extract_strided_slice %get3A_14 {offsets = [15], sizes = [1], strides = [1]} : vector<16xi32> to vector<1xi32>
      %squeeze3A_516 = vector.extract %slice3A_515[0] : i32 from vector<1xi32>
      %mul3A_517 = arith.constant 128 : i32
      %mul3A_518 = arith.muli %select_n3A_492, %mul3A_517 : i32
      %sub3A_519 = arith.subi %squeeze3A_516, %mul3A_518 : i32
      %ge3A_520 = arith.constant 2944 : i32
      %ge3A_521 = arith.cmpi sge, %sub3A_519, %ge3A_520 : i32
      %shift_right_logical3A_522 = arith.constant 7 : i32
      %shift_right_logical3A_523 = arith.shrui %squeeze3A_516, %shift_right_logical3A_522 : i32
      %min3A_524 = arith.constant 7790 : i32
      %min3A_525 = arith.minsi %shift_right_logical3A_523, %min3A_524 : i32
      %select_n3A_526 = arith.select %ge3A_521, %min3A_525, %select_n3A_492 : i32
      %convert_element_type3A_527 = arith.extui %ge3A_521 : i1 to i32
      %cond3A_528 = arith.constant 0 : i32
      %cond3A_529 = arith.cmpi ne, %convert_element_type3A_527, %cond3A_528 : i32
      scf.if %cond3A_529 {
        %mul3A_549 = arith.constant 128 : i32
        %mul3A_550 = arith.muli %select_n3A_526, %mul3A_549 : i32
        %multiple_of3A = tpu.assume_multiple %mul3A_550, 128 : i32
        "tpu.region"() ({
          %run_scoped3A = tpu.sem_alloc : memref<!tpu.dma_semaphore, #tpu.memory_space<semaphore_mem>>
          %dma_start3A = arith.constant 0 : i32
          %dma_start3A_551 = tpu.memref_slice %arg2[%dma_start3A, %multiple_of3A] : memref<32x1000000xf32, #tpu.memory_space<hbm>> -> memref<32x2944xf32, #tpu.memory_space<hbm>>
          %dma_start3A_552 = arith.constant 0 : i32
          %dma_start3A_553 = tpu.memref_slice %arg2[%dma_start3A_552, %multiple_of3A] : memref<32x1000000xf32, #tpu.memory_space<hbm>> -> memref<32x2944xf32, #tpu.memory_space<hbm>>
          tpu.enqueue_dma source(%dma_start3A_553 : memref<32x2944xf32, #tpu.memory_space<hbm>>) target(%arg6 : memref<32x2944xf32, #tpu.memory_space<vmem>>) target_semaphore(%run_scoped3A : memref<!tpu.dma_semaphore, #tpu.memory_space<semaphore_mem>>)
          %dma_wait3A = arith.constant 0 : i32
          %dma_wait3A_554 = tpu.memref_slice %arg2[%dma_wait3A, %multiple_of3A] : memref<32x1000000xf32, #tpu.memory_space<hbm>> -> memref<32x2944xf32, #tpu.memory_space<hbm>>
          %dma_wait3A_555 = arith.constant 0 : i32
          %dma_wait3A_556 = tpu.memref_slice %arg2[%dma_wait3A_555, %multiple_of3A] : memref<32x1000000xf32, #tpu.memory_space<hbm>> -> memref<32x2944xf32, #tpu.memory_space<hbm>>
          tpu.wait_dma2 semaphore(%run_scoped3A : memref<!tpu.dma_semaphore, #tpu.memory_space<semaphore_mem>>) src(%dma_wait3A_556 : memref<32x2944xf32, #tpu.memory_space<hbm>>) dst(%arg6 : memref<32x2944xf32, #tpu.memory_space<vmem>>)
          tpu.yield
        }) : () -> ()
      } else {
      }
      %mul3A_530 = arith.constant 128 : i32
      %mul3A_531 = arith.muli %select_n3A_526, %mul3A_530 : i32
      %sub3A_532 = arith.subi %squeeze3A_516, %mul3A_531 : i32
      %add3A_533 = vector.broadcast %sub3A_532 : i32 to vector<16xi32>
      %add3A_534 = arith.addi %broadcast_in_dim3A_1, %add3A_533 : vector<16xi32>
      %mul3A_535 = arith.constant 16 : i32
      %mul3A_536 = arith.muli %scan3A_10, %mul3A_535 : i32
      %add3A_537 = arith.constant 15 : i32
      %add3A_538 = arith.addi %mul3A_536, %add3A_537 : i32
      %add3A_539 = vector.broadcast %add3A_538 : i32 to vector<16xi32>
      %add3A_540 = arith.addi %broadcast_in_dim3A_1, %add3A_539 : vector<16xi32>
      %gather3A_541 = tpu.vector_load_idx %arg6[%iota3A, %add3A_534] : memref<32x2944xf32, #tpu.memory_space<vmem>>[vector<16xi32>, vector<16xi32>], vector<16xf32>,
      %add3A_542 = arith.constant 16 : i32
      %add3A_543 = vector.broadcast %add3A_542 : i32 to vector<16xi32>
      %add3A_544 = arith.addi %iota3A, %add3A_543 : vector<16xi32>
      %gather3A_545 = tpu.vector_load_idx %arg6[%add3A_544, %add3A_534] : memref<32x2944xf32, #tpu.memory_space<vmem>>[vector<16xi32>, vector<16xi32>], vector<16xf32>,
      tpu.vector_store_idx %arg7[%iota3A, %add3A_540], %gather3A_541 : memref<32x1024xf32, #tpu.memory_space<vmem>>[vector<16xi32>, vector<16xi32>], vector<16xf32>,
      %add3A_546 = arith.constant 16 : i32
      %add3A_547 = vector.broadcast %add3A_546 : i32 to vector<16xi32>
      %add3A_548 = arith.addi %iota3A, %add3A_547 : vector<16xi32>
      tpu.vector_store_idx %arg7[%add3A_548, %add3A_540], %gather3A_545 : memref<32x1024xf32, #tpu.memory_space<vmem>>[vector<16xi32>, vector<16xi32>], vector<16xf32>,
      scf.yield %select_n3A_526 : i32
    }
    %scan3A_7 = arith.constant 64 : i32
    %mul3A_8 = arith.constant 1024 : i32
    %mul3A_9 = arith.muli %add3A, %mul3A_8 : i32
    "tpu.region"() ({
      %run_scoped3A = tpu.sem_alloc : memref<!tpu.dma_semaphore, #tpu.memory_space<semaphore_mem>>
      %dma_start3A = arith.constant 0 : i32
      %dma_start3A_10 = tpu.memref_slice %arg4[%dma_start3A, %mul3A_9] : memref<32x32768xf32, #tpu.memory_space<hbm>> -> memref<32x1024xf32, #tpu.memory_space<hbm>>
      %dma_start3A_11 = arith.constant 0 : i32
      %dma_start3A_12 = tpu.memref_slice %arg4[%dma_start3A_11, %mul3A_9] : memref<32x32768xf32, #tpu.memory_space<hbm>> -> memref<32x1024xf32, #tpu.memory_space<hbm>>
      tpu.enqueue_dma source(%arg7 : memref<32x1024xf32, #tpu.memory_space<vmem>>) target(%dma_start3A_12 : memref<32x1024xf32, #tpu.memory_space<hbm>>) target_semaphore(%run_scoped3A : memref<!tpu.dma_semaphore, #tpu.memory_space<semaphore_mem>>)
      %dma_wait3A = arith.constant 0 : i32
      %dma_wait3A_13 = tpu.memref_slice %arg4[%dma_wait3A, %mul3A_9] : memref<32x32768xf32, #tpu.memory_space<hbm>> -> memref<32x1024xf32, #tpu.memory_space<hbm>>
      %dma_wait3A_14 = arith.constant 0 : i32
      %dma_wait3A_15 = tpu.memref_slice %arg4[%dma_wait3A_14, %mul3A_9] : memref<32x32768xf32, #tpu.memory_space<hbm>> -> memref<32x1024xf32, #tpu.memory_space<hbm>>
      tpu.wait_dma2 semaphore(%run_scoped3A : memref<!tpu.dma_semaphore, #tpu.memory_space<semaphore_mem>>) src(%arg7 : memref<32x1024xf32, #tpu.memory_space<vmem>>) dst(%dma_wait3A_15 : memref<32x1024xf32, #tpu.memory_space<hbm>>)
      tpu.yield
    }) : () -> ()
    return
  }
}

</mosaic_0001>

<sc_bundles>
// kernel: _sc_stream_gather.3.cloned.1.call-start
scs
__scs_entry_jumppad:
0x0: {  	(pc) =	sbr.rel $0x88, $3  }
0x1: {  	(tag) =	ssettag $0x0;
	lr =	simm.s32 $0x1  }
0x2: {  	[smem:$0x3F9F] =	sst lr;
	_ =	strace $0xD0000000  }
0x3: {  	_ = 	snop  }
0x4: {  	_ = 	snop  }
0x5: {  	_ = 	snop  }
0x6: {  	_ = 	snop  }
0x7: {  	_ = 	snop  }
__scs_overlays_trampoline_lowered:
0x8: {  	[smem:$0x3FAE] =	sst s0  }
0x9: {  	[smem:$0x3FAF] =	sst s1  }
0xa: {  	[smem:$0x3FB0] =	sst s2  }
0xb: {  	[smem:$0x3FB1] =	sst s3  }
0xc: {  	[smem:$0x3FB2] =	sst s4  }
0xd: {  	[smem:$0x3FB3] =	sst s5  }
0xe: {  	[smem:$0x3FB4] =	sst s6  }
0xf: {  	[smem:$0x3FB5] =	sst s7  }
0x10: {  	[smem:$0x3FB6] =	sst s8  }
0x11: {  	[smem:$0x3FB7] =	sst s9;
	s0 =	simm.s32 @!p0 $0x0  }
0x12: {  	s1 =	sld [smem:$0x3F9D];
	s0 =	simm.s32 @p0 $0x1  }
0x13: {  	[smem:$0x3FB8] =	sst s0;
	s0 =	simm.s32 @!p1 $0x0  }
0x14: {  	s2 =	sld [smem:$0x3F9C];
	s0 =	simm.s32 @p1 $0x1  }
0x15: {  	[smem:$0x3FB9] =	sst s0;
	s0 =	simm.s32 @!p2 $0x0  }
0x16: {  	s3 =	sld [smem:$0x3FDB];
	s0 =	simm.s32 @p2 $0x1  }
0x17: {  	s4 =	simm.s32 $0x1BF5;
	[smem:$0x3FBB] =	sst s0  }
0x18: {  	s0 =	sld [smem:$0x3F9E];
	_ =	swait.ge [sflag:s4], $0x0  }
0x19: {  	s7 =	sld [smem:$0x3F9F]  }
0x1a: {  	s8 =	sadd.s32 $0xFFFFE003, lr  }
0x1b: {  	s9 =	sadd.s32 $0xFFFFFEF7, lr;
	s5 =	simm.s32 $0xFFFFFFFF;
	p2 =	slt.u32 s8, $0xFFFFF086  }
0x1c: {  	p1 =	slt.u32 s9, $0xF7A;
	s5 =	simm.s32 @!p2 $0x0  }
0x1d: {  	s5 =	simm.s32 @p1 $0x1;
	p0 =	seq.s32 s7, s2  }
0x1e: {  	s7 =	smul.u32 @!p0 $0xF7A, s2;
	p2 =	seq.s32 @!p0 s5, $0x0  }
0x1f: {  	s9 =	smul.u32 $0xF7A, s1;
	s8 =	simm.s32 @!p0 $0x1BF5;
	p2 =	por !p2, p0  }
0x20: {  	[sflag:s8] =	ssyncset.s32 @!p0 $0xFFFFF086;
	s6 =	sadd.s32 @!p0 s3, s7;
	s7 =	simm.s32 @!p0 $0x108  }
0x21: {  	s3 =	sadd.s32 s3, s9;
	s6 =	sadd.s32 @!p0 $0x88, s6;
	s7 =	simm.s32 @p2 $0x1082  }
0x22: {  	[simem:s7], [sflag:s8] =	dma.local @!p0 [hbm:s6], $0xF7A  }
0x23: {  	s9 =	sor.u32 $0xD0000000, s2;
	s6 =	simm.s32 $0x108;
	_ =	swait.ge @!p0 [sflag:s8], $0x0  }
0x24: {  	s3 =	sadd.s32 $0x88, s3;
	s6 =	simm.s32 @!p1 $0x1082;
	[sflag:s4] =	ssyncset.s32 $0xFFFFF086  }
0x25: {  	[simem:s6], [sflag:s4] =	dma.local [hbm:s3], $0xF7A  }
0x26: {  	[smem:$0x3F9F] =	sst s1;
	(tag) =	ssettag s2;
	_ =	strace s9  }
0x27: {  	s1 =	sld [smem:$0x3FAF]  }
0x28: {  	s2 =	sld [smem:$0x3FB0]  }
0x29: {  	s4 =	sld [smem:$0x3FB2]  }
0x2a: {  	p0 =	seq.s32 s5, $0x0;
	s5 =	sld [smem:$0x3FB3]  }
0x2b: {  	s6 =	sld [smem:$0x3FB4]  }
0x2c: {  	s7 =	sld [smem:$0x3FB5]  }
0x2d: {  	s3 =	simm.s32 $0x108;
	s8 =	sld [smem:$0x3FB6]  }
0x2e: {  	s3 =	simm.s32 @!p0 $0x1082;
	s9 =	sld [smem:$0x3FB7]  }
0x2f: {  	lr =	sadd.s32 s0, s3;
	s0 =	sld [smem:$0x3FAE]  }
0x30: {  	s3 =	sld [smem:$0x3FB1]  }
0x31: {  	[smem:$0x3FBA] =	sst s10  }
0x32: {  	s10 =	sld [smem:$0x3FB8];
	_ =	sdelay $0x3  }
0x33: {  	p0 =	seq.s32 s10, $0x1;
	s10 =	sld [smem:$0x3FBA];
	_ =	sdelay $0x3  }
0x34: {  	[smem:$0x3FBA] =	sst s10  }
0x35: {  	s10 =	sld [smem:$0x3FB9];
	_ =	sdelay $0x3  }
0x36: {  	p1 =	seq.s32 s10, $0x1;
	s10 =	sld [smem:$0x3FBA];
	_ =	sdelay $0x3  }
0x37: {  	[smem:$0x3FBA] =	sst s10  }
0x38: {  	s10 =	sld [smem:$0x3FBB]  }
0x39: {  	_ = 	snop;
	(pc) =	sbr.ind lr, $3  }
0x3a: {  	_ = 	snop  }
0x3b: {  	_ = 	snop  }
0x3c: {  	p2 =	seq.s32 s10, $0x1;
	s10 =	sld [smem:$0x3FBA]  }
0x3d: {  	_ =	shalt  }
0x3e: {  	_ =	shalt  }
0x3f: {  	_ =	shalt  }
0x40: {  	_ =	shalt  }
0x41: {  	_ =	shalt  }
0x42: {  	_ =	shalt  }
0x43: {  	_ =	shalt  }
0x44: {  	_ =	shalt  }
0x45: {  	_ =	shalt  }
0x46: {  	_ =	shalt  }
0x47: {  	_ =	shalt  }
0x48: {  	_ =	shalt  }
0x49: {  	_ =	shalt  }
0x4a: {  	_ =	shalt  }
0x4b: {  	_ =	shalt  }
0x4c: {  	_ =	shalt  }
0x4d: {  	_ =	shalt  }
0x4e: {  	_ =	shalt  }
0x4f: {  	_ =	shalt  }
0x50: {  	_ =	shalt  }
0x51: {  	_ =	shalt  }
0x52: {  	_ =	shalt  }
0x53: {  	_ =	shalt  }
0x54: {  	_ =	shalt  }
0x55: {  	_ =	shalt  }
0x56: {  	_ =	shalt  }
0x57: {  	_ =	shalt  }
0x58: {  	_ =	shalt  }
0x59: {  	_ =	shalt  }
0x5a: {  	_ =	shalt  }
0x5b: {  	_ =	shalt  }
0x5c: {  	_ =	shalt  }
0x5d: {  	_ =	shalt  }
0x5e: {  	_ =	shalt  }
0x5f: {  	_ =	shalt  }
0x60: {  	_ =	shalt  }
0x61: {  	_ =	shalt  }
0x62: {  	_ =	shalt  }
0x63: {  	_ =	shalt  }
0x64: {  	_ =	shalt  }
0x65: {  	_ =	shalt  }
0x66: {  	_ =	shalt  }
0x67: {  	_ =	shalt  }
0x68: {  	_ =	shalt  }
0x69: {  	_ =	shalt  }
0x6a: {  	_ =	shalt  }
0x6b: {  	_ =	shalt  }
0x6c: {  	_ =	shalt  }
0x6d: {  	_ =	shalt  }
0x6e: {  	_ =	shalt  }
0x6f: {  	_ =	shalt  }
0x70: {  	_ =	shalt  }
0x71: {  	_ =	shalt  }
0x72: {  	_ =	shalt  }
0x73: {  	_ =	shalt  }
0x74: {  	_ =	shalt  }
0x75: {  	_ =	shalt  }
0x76: {  	_ =	shalt  }
0x77: {  	_ =	shalt  }
0x78: {  	_ =	shalt  }
0x79: {  	_ =	shalt  }
0x7a: {  	_ =	shalt  }
0x7b: {  	_ =	shalt  }
0x7c: {  	_ =	shalt  }
0x7d: {  	_ =	shalt  }
0x7e: {  	_ =	shalt  }
0x7f: {  	_ =	shalt  }
0x80: {  	_ =	shalt  }
0x81: {  	_ =	shalt  }
0x82: {  	_ =	shalt  }
0x83: {  	_ =	shalt  }
0x84: {  	_ =	shalt  }
0x85: {  	_ =	shalt  }
0x86: {  	_ =	shalt  }
0x87: {  	_ =	shalt  }
.Lfunc_end0:
.L_simem_size_0:
called_computation_lowered:
.L_overlay_start_0:
0x88: {  	s2 =	sld [smem:$0x3FD9]  }
0x89: {  	s3 =	sld [smem:$0x3FFE];
	_ =	sdelay $0x1  }
0x8a: {  	s1 =	srdreg.scid  }
0x8b: {  	s0 =	sand.u32 $0x1, s1  }
0x8c: {  	s18 =	sshll.u32 s0, $0xA;
	s2 =	sadd.s32 s3, s2  }
0x8d: {  	s2 =	sadd.s32 s2, s18  }
0x8e: {  	[smem:$0x3FC6] =	sst s2  }
0x8f: {  	_ = 	snop  }
0x90: {  	s2 =	sld [smem:$0x3FC9]  }
0x91: {  	s19 =	sld [smem:$0x3FC8]  }
0x92: {  	s4 =	sld [smem:$0x3FD0];
	(tm) =	ssettm $0x1  }
0x93: {  	s5 =	sld [smem:$0x3FFB];
	_ =	sdelay $0x3  }
0x94: {  	_ =	strace s5  }
0x95: {  	s5 =	sld [smem:$0x3FFC];
	_ =	sdelay $0x3  }
0x96: {  	_ =	strace s5  }
0x97: {  	s5 =	sld [smem:$0x3FFD];
	_ =	sdelay $0x3  }
0x98: {  	_ =	strace s5  }
0x99: {  	_ =	strace $0x8FFFFFFF  }
0x9a: {  	s20 =	sld [smem:$0x3FDB];
	_ =	sdelay $0x1  }
0x9b: {  	s6 =	simm.s32 $_scs_section_size  }
0x9c: {  	s7 =	simm.s32 $_size__tile_overlayer_lowered;
	s8 =	simm.s32 $_tile_overlayer_lowered  }
0x9d: {  	s23 =	simm.s32 $0x1BFF;
	s22 =	sshll.u32 s8, $0x1;
	s5 =	sadd.s32 s6, s20  }
0x9e: {  	s9 =	simm.s32 $0x0;
	s21 =	sshll.u32 s7, $0x1;
	s7 =	sadd.s32 s22, s5  }
0x9f: {  	[timem:s9], [sflag:s23] =	dma.local [hbm:s7], s21  }
0xa0: {  	_ =	swait.ge [sflag:s23], s21  }
0xa1: {  	s6 =	ssub.s32 $0x0, s21;
	[sflag:s23] =	ssyncset.done $0x0  }
0xa2: {  	[sflag:s23] =	ssyncadd.s32 s6;
	_ =	sdelay $0x1  }
0xa3: {  	s24 =	simm.s32 $0x1B8B  }
0xa4: {  	_ =	swait.ge [sflag:s24], $0x1  }
0xa5: {  	[sflag:s24] =	ssyncset.done $0x0  }
0xa6: {  	s25 =	simm.s32 $0x1B8E;
	[sflag:s24] =	ssyncadd.s32 $0xFFFFFFFF  }
0xa7: {  	s26 =	simm.s32 $execute0_lowered;
	[smem:$0x3FD2] =	sst s25  }
0xa8: {  	s6 =	sshll.u32 s26, $0x1;
	_ =	strace $0x80000046;
	[dreg:$0x1] =	wrdreg $0xFFFFFFFF  }
0xa9: {  	s28 =	simm.s32 $_size_execute0_lowered;
	s5 =	sadd.s32 s5, s6;
	[dreg:$0x0] =	wrdreg $0x0  }
0xaa: {  	s6 =	sshll.u32 s28, $0x1;
	[dreg:$0x2] =	wrdreg s5  }
0xab: {  	[dreg:$0x3] =	wrdreg s6  }
0xac: {  	[dreg:$0x4] =	wrdreg $0xC0  }
0xad: {  	_ =	task [dreg:s9], $0x5FFFF  }
0xae: {  	[dreg:$0x1] =	wrdreg $0xFFFFFFFF  }
0xaf: {  	[dreg:$0x0] =	wrdreg $0x60  }
0xb0: {  	[dreg:$0x2] =	wrdreg s2  }
0xb1: {  	[dreg:$0x3] =	wrdreg s19  }
0xb2: {  	[dreg:$0x4] =	wrdreg s4  }
0xb3: {  	[dreg:$0x5] =	wrdreg $0x9  }
0xb4: {  	_ =	task.clear_ibuf [dreg:s9], $0x6FFFF;
	_ =	strace $0x90000046  }
0xb5: {  	s29 =	simm.s32 $0x9;
	_ =	strace $0x80000048  }
0xb6: {  	_ =	swait.ge [sflag:s29], $0x1  }
0xb7: {  	[sflag:s29] =	ssyncadd.s32 $0xFFFFFFFF  }
0xb8: {  	_ =	strace $0x90000048  }
0xb9: {  	_ =	sfence  }
0xba: {  	s30 =	sld [smem:$0x0];
	_ =	sdelay $0x2  }
0xbb: {  	s31 =	sshll.u32 s1, $0xD;
	s1 =	sshrl.u32 s1, $0x2  }
0xbc: {  	s3 =	sand.u32 $0x4000, s31;
	s1 =	sadd.s32 s1, s30  }
0xbd: {  	s0 =	sor.u32 s3, s0;
	s1 =	sshll.u32 s1, $0x11  }
0xbe: {  	s0 =	sor.u32 s1, s0  }
0xbf: {  	s0 =	sadd.s32 $0x8F2B, s0  }
0xc0: {  	[sflag:s0] =	ssyncadd.remote.s32 $0x1  }
0xc1: {  	_ =	sfence.sel $0xFFFF  }
0xc2: {  	[dreg:$0x0] =	wrdreg $0xFFFFFFFF;
	(pc) =	sbr.abs _section_cstart, $3  }
0xc3: {  	[dreg:$0x1] =	wrdreg $0xFFFFFFFF  }
0xc4: {  	_ =	task.clear_ibuf [dreg:s9], $0x2FFFF;
	_ =	strace $0x9FFFFFFF  }
0xc5: {  	(tm) =	ssettm $0x7FFFFFFF  }
tec
execute0_lowered:
.L_overlay_start_1:
0x0: {  	(tag) =	ssettag $0x1  }
0x1: {  	v0 =	vimm.s32 $0x5F80  }
0x2: {  	vm14 =	vcmask $0x300;
	vm13 =	vcmask $0x704;
	vm12 =	vcmask $0xB08  }
0x3: {  	vm11 =	vcmask $0xF0C;
	vm10 =	vcmask $0x1310;
	vm9 =	vcmask $0x1714  }
0x4: {  	vm8 =	vcmask $0x1B18;
	vm7 =	vcmask $0x1F1C;
	vm6 =	vcmask $0x2320  }
0x5: {  	vm5 =	vcmask $0x2724;
	vm4 =	vcmask $0x2B28;
	vm3 =	vcmask $0x2F2C  }
0x6: {  	vm2 =	vcmask $0x3330;
	vm1 =	vcmask $0x3734;
	vm0 =	vcmask $0x3B38  }
0x7: {  	v1 =	vimm.s32 $0x11780;
	v2 =	vimm.s32 $0x2380;
	v3 =	vimm.s32 $0x6380  }
0x8: {  	v0 =	vsel vm14, $0x0, v0;
	v1 =	vsel vm14, $0xB800, v1;
	v2 =	vsel vm14, $0x0, v2  }
0x9: {  	v3 =	vsel vm14, $0x4000, v3;
	v0 =	vsel vm13, $0x80, v0;
	v1 =	vsel vm13, $0xB880, v1  }
0xa: {  	v2 =	vsel vm13, $0x80, v2;
	v3 =	vsel vm13, $0x4080, v3;
	v0 =	vsel vm12, $0x100, v0  }
0xb: {  	v1 =	vsel vm12, $0xB900, v1;
	v2 =	vsel vm12, $0x100, v2;
	v3 =	vsel vm12, $0x4100, v3  }
0xc: {  	v0 =	vsel vm11, $0x180, v0;
	v1 =	vsel vm11, $0xB980, v1;
	v2 =	vsel vm11, $0x180, v2  }
0xd: {  	v3 =	vsel vm11, $0x4180, v3;
	v0 =	vsel vm10, $0x200, v0;
	v1 =	vsel vm10, $0xBA00, v1  }
0xe: {  	v2 =	vsel vm10, $0x200, v2;
	v3 =	vsel vm10, $0x4200, v3;
	v0 =	vsel vm9, $0x280, v0  }
0xf: {  	v1 =	vsel vm9, $0xBA80, v1;
	v2 =	vsel vm9, $0x280, v2;
	v3 =	vsel vm9, $0x4280, v3  }
0x10: {  	v0 =	vsel vm8, $0x300, v0;
	v1 =	vsel vm8, $0xBB00, v1;
	v2 =	vsel vm8, $0x300, v2  }
0x11: {  	s1 =	rddreg [dreg:$0x0];
	v3 =	vsel vm8, $0x4300, v3;
	v0 =	vsel vm7, $0x380, v0;
	v1 =	vsel vm7, $0xBB80, v1  }
0x12: {  	s2 =	srdreg.scid;
	s5 =	rddreg [dreg:$0x1];
	v2 =	vsel vm7, $0x380, v2;
	v3 =	vsel vm7, $0x4380, v3;
	v0 =	vsel vm6, $0x5C00, v0  }
0x13: {  	s0 =	stileid.u32;
	s6 =	rddreg [dreg:$0x2];
	s10 =	simm.s32 $0x17400;
	v1 =	vsel vm6, $0x11400, v1;
	v2 =	vsel vm6, $0x2000, v2;
	v3 =	vsel vm6, $0x6000, v3  }
0x14: {  	s11 =	simm.s32 $0x2000;
	s4 =	sand.u32 $0x1, s2;
	s31 =	sshll.u32 s0, $0x1;
	v0 =	vsel vm5, $0x5C80, v0;
	v1 =	vsel vm5, $0x11480, v1;
	v2 =	vsel vm5, $0x2080, v2  }
0x15: {  	s12 =	simm.s32 $0x40000;
	s13 =	simm.s32 $0x0;
	s2 =	sor.u32 s4, s31;
	v3 =	vsel vm5, $0x6080, v3;
	v0 =	vsel vm4, $0x5D00, v0;
	v1 =	vsel vm4, $0x11500, v1  }
0x16: {  	s4 =	ssub.s32 $0x2, s4;
	s7 =	sshll.u32 s2, $0xA;
	s3 =	sshll.u32 s2, $0x7;
	v2 =	vsel vm4, $0x2100, v2;
	v3 =	vsel vm4, $0x6100, v3;
	v0 =	vsel vm3, $0x5D80, v0  }
0x17: {  	s2 =	rddreg [dreg:$0x3];
	s8 =	sor.u32 s3, s7;
	s3 =	simm.s32 $0x0;
	v1 =	vsel vm3, $0x11580, v1;
	v2 =	vsel vm3, $0x2180, v2;
	v3 =	vsel vm3, $0x6180, v3  }
0x18: {  	s9 =	sshrl.u32 s4, $0x1;
	s8 =	sand.u32 $0x6380, s8;
	[smem:$0x7FF] =	sst s3;
	v0 =	vsel vm2, $0x5E00, v0;
	v1 =	vsel vm2, $0x11600, v1;
	v2 =	vsel vm2, $0x2200, v2  }
0x19: {  	s9 =	ssub.s32 s4, s9;
	s8 =	sshrl.u32 s8, $0x3;
	_ =	strace $0x80000047;
	v3 =	vsel vm2, $0x6200, v3;
	v0 =	vsel vm1, $0x5E80, v0;
	v1 =	vsel vm1, $0x11680, v1  }
0x1a: {  	s4 =	sadd.s32 s5, s8;
	s5 =	sadd.s32 s6, s7;
	s6 =	smax.u32 s9, $0x1;
	v2 =	vsel vm1, $0x2280, v2;
	v3 =	vsel vm1, $0x6280, v3;
	v0 =	vsel vm0, $0x5F00, v0  }
0x1b: {  	s7 =	simm.s32 $0x80;
	s8 =	simm.s32 $0x400;
	s9 =	simm.s32 $0x1;
	v1 =	vsel vm0, $0x11700, v1;
	v2 =	vsel vm0, $0x2300, v2;
	v3 =	vsel vm0, $0x6300, v3  }
.LBB2_1:
0x1c: {  	[tilespmem:s3], [sflag:$0x1] =	stream.strided.gather [hbm4b:s4+s7], $0x400, s8, s7, $0x38;
	[tilespmem:$0x1F400] =	vst v63  }
0x1d: {  	_ =	swait.ge [sflag:s9], $0x400  }
0x1e: {  	s14 =	simm.s32 $0xFFF00000;
	[sflag:s9] =	ssyncset.done $0x0  }
0x1f: {  	s15 =	simm.s32 $0xF;
	s16 =	simm.s32 $0x0;
	[sflag:s9] =	ssyncadd.s32 $0xFFFFFC00  }
.LBB2_2:
0x20: {  	v4 =	vld [tilespmem:s16+$0x0];
	_ =	sdelay $0x4  }
0x21: {  	(v2sf) =	vpush v4, $0x0;
	_ =	sdelay $0xe  }
0x22: {  	s18 =	sshll.u32 s14, $0x7;
	s17 =	spop (v2sf)  }
0x23: {  	s18 =	ssub.s32 s17, s18;
	s19 =	sshrl.u32 s17, $0x7  }
0x24: {  	p0 =	slt.s32 s18, $0xB80;
	s19 =	smin.u32 s19, $0x1E6E  }
0x25: {  	s20 =	sshll.u32 @!p0 s19, $0x7;
	s21 =	simm.s32 @!p0 $0x5C00  }
0x26: {  	s22 =	simm.s32 @!p0 $0x7A1400;
	s23 =	simm.s32 @!p0 $0x400;
	s20 =	sadd.s32 @!p0 s1, s20  }
0x27: {  	[tilespmem:s23], [sflag:$0x1] =	stream.strided.gather @!p0 [hbm4b:s20+s21], $0x17000, s22, s21, $0x38;
	[tilespmem:$0x1F400] =	vst v63  }
0x28: {  	s20 =	simm.s32 @!p0 $0x1  }
0x29: {  	_ =	swait.ge @!p0 [sflag:s20], $0x17000  }
0x2a: {  	p1 =	sgt.s32 s18, $0xB7F;
	(v2sf) =	vpush v4, $0x1  }
0x2b: {  	s14 =	smov.u32 @p1 s19  }
0x2c: {  	s29 =	sshll.u32 s14, $0x7  }
0x2d: {  	s17 =	ssub.s32 s17, s29  }
0x2e: {  	v5 =	vmov s17  }
0x2f: {  	v6 =	vshll.u32 v5, $0x3  }
0x30: {  	v5 =	vand.u32 $0x7F, v5;
	v6 =	vand.u32 $0xFFFFFC00, v6  }
0x31: {  	v5 =	vor.u32 v5, v6  }
0x32: {  	s30 =	sadd.s32 $0xFFFFFFF1, s15;
	v6 =	vadd.s32 v0, v5  }
0x33: {  	v7 =	vmov s30;
	v5 =	vadd.s32 v1, v5  }
0x34: {  	v8 =	vshll.u32 v7, $0x3  }
0x35: {  	v7 =	vand.u32 $0x70, v7;
	v8 =	vand.u32 $0x1C00, v8;
	[sflag:s20] =	ssyncset.done @!p0 $0x0  }
0x36: {  	v7 =	vor.u32 v7, v8;
	[sflag:s20] =	ssyncadd.s32 @!p0 $0xFFFE9000  }
0x37: {  	v8 =	vor.u32 v2, v7;
	v6 =	vld.idx.msk [tilespmem:v6+s8+$0x0], $0xffff  }
0x38: {  	v7 =	vor.u32 v3, v7;
	v5 =	vld.idx.msk [tilespmem:v5+s8+$0x0], $0xffff  }
0x39: {  	s31 =	spop (v2sf)  }
0x3a: {  	s18 =	ssub.s32 s31, s29;
	s23 =	sshrl.u32 s31, $0x7  }
0x3b: {  	p0 =	slt.s32 s18, $0xB80;
	s19 =	smin.u32 s23, $0x1E6E  }
0x3c: {  	[tilespmem:v8+s10+$0x0] =	vst.idx.msk $0xffff, v6;
	s20 =	sshll.u32 @!p0 s19, $0x7;
	s21 =	simm.s32 @!p0 $0x5C00  }
0x3d: {  	[tilespmem:v7+s10+$0x0] =	vst.idx.msk $0xffff, v5;
	s22 =	simm.s32 @!p0 $0x7A1400;
	s23 =	simm.s32 @!p0 $0x400;
	s20 =	sadd.s32 @!p0 s1, s20  }
0x3e: {  	[tilespmem:s23], [sflag:$0x1] =	stream.strided.gather @!p0 [hbm4b:s20+s21], $0x17000, s22, s21, $0x38;
	[tilespmem:$0x1F400] =	vst v63  }
0x3f: {  	s20 =	simm.s32 @!p0 $0x1  }
0x40: {  	_ =	swait.ge @!p0 [sflag:s20], $0x17000  }
0x41: {  	p1 =	sgt.s32 s18, $0xB7F;
	(v2sf) =	vpush v4, $0x2  }
0x42: {  	s14 =	smov.u32 @p1 s19  }
0x43: {  	s24 =	sshll.u32 s14, $0x7  }
0x44: {  	s17 =	ssub.s32 s31, s24  }
0x45: {  	v5 =	vmov s17  }
0x46: {  	v19 =	vshll.u32 v5, $0x3  }
0x47: {  	v5 =	vand.u32 $0x7F, v5;
	v6 =	vand.u32 $0xFFFFFC00, v19  }
0x48: {  	v5 =	vor.u32 v5, v6  }
0x49: {  	s25 =	sadd.s32 $0xFFFFFFF2, s15;
	v6 =	vadd.s32 v0, v5  }
0x4a: {  	v20 =	vmov s25;
	v5 =	vadd.s32 v1, v5  }
0x4b: {  	v21 =	vshll.u32 v20, $0x3  }
0x4c: {  	v8 =	vand.u32 $0x1C00, v21;
	v7 =	vand.u32 $0x71, v20;
	[sflag:s20] =	ssyncset.done @!p0 $0x0  }
0x4d: {  	v7 =	vor.u32 v7, v8;
	[sflag:s20] =	ssyncadd.s32 @!p0 $0xFFFE9000  }
0x4e: {  	v8 =	vor.u32 v2, v7;
	v6 =	vld.idx.msk [tilespmem:v6+s8+$0x0], $0xffff  }
0x4f: {  	v7 =	vor.u32 v3, v7;
	v5 =	vld.idx.msk [tilespmem:v5+s8+$0x0], $0xffff  }
0x50: {  	s26 =	spop (v2sf)  }
0x51: {  	s18 =	ssub.s32 s26, s24;
	s28 =	sshrl.u32 s26, $0x7  }
0x52: {  	p0 =	slt.s32 s18, $0xB80;
	s19 =	smin.u32 s28, $0x1E6E  }
0x53: {  	[tilespmem:v8+s10+$0x0] =	vst.idx.msk $0xffff, v6;
	s20 =	sshll.u32 @!p0 s19, $0x7;
	s21 =	simm.s32 @!p0 $0x5C00  }
0x54: {  	[tilespmem:v7+s10+$0x0] =	vst.idx.msk $0xffff, v5;
	s22 =	simm.s32 @!p0 $0x7A1400;
	s23 =	simm.s32 @!p0 $0x400;
	s20 =	sadd.s32 @!p0 s1, s20  }
0x55: {  	[tilespmem:s23], [sflag:$0x1] =	stream.strided.gather @!p0 [hbm4b:s20+s21], $0x17000, s22, s21, $0x38;
	[tilespmem:$0x1F400] =	vst v63  }
0x56: {  	s20 =	simm.s32 @!p0 $0x1  }
0x57: {  	_ =	swait.ge @!p0 [sflag:s20], $0x17000  }
0x58: {  	p1 =	sgt.s32 s18, $0xB7F;
	(v2sf) =	vpush v4, $0x3  }
0x59: {  	s14 =	smov.u32 @p1 s19  }
0x5a: {  	s29 =	sshll.u32 s14, $0x7  }
0x5b: {  	s17 =	ssub.s32 s26, s29  }
0x5c: {  	v5 =	vmov s17  }
0x5d: {  	v22 =	vshll.u32 v5, $0x3  }
0x5e: {  	v5 =	vand.u32 $0x7F, v5;
	v6 =	vand.u32 $0xFFFFFC00, v22  }
0x5f: {  	v5 =	vor.u32 v5, v6  }
0x60: {  	s30 =	sadd.s32 $0xFFFFFFF3, s15;
	v6 =	vadd.s32 v0, v5  }
0x61: {  	v23 =	vmov s30;
	v5 =	vadd.s32 v1, v5  }
0x62: {  	v24 =	vshll.u32 v23, $0x3  }
0x63: {  	v8 =	vand.u32 $0x1C00, v24;
	v7 =	vand.u32 $0x72, v23;
	[sflag:s20] =	ssyncset.done @!p0 $0x0  }
0x64: {  	v7 =	vor.u32 v7, v8;
	[sflag:s20] =	ssyncadd.s32 @!p0 $0xFFFE9000  }
0x65: {  	v8 =	vor.u32 v2, v7;
	v6 =	vld.idx.msk [tilespmem:v6+s8+$0x0], $0xffff  }
0x66: {  	v7 =	vor.u32 v3, v7;
	v5 =	vld.idx.msk [tilespmem:v5+s8+$0x0], $0xffff  }
0x67: {  	s31 =	spop (v2sf)  }
0x68: {  	s18 =	ssub.s32 s31, s29;
	s23 =	sshrl.u32 s31, $0x7  }
0x69: {  	p0 =	slt.s32 s18, $0xB80;
	s19 =	smin.u32 s23, $0x1E6E  }
0x6a: {  	[tilespmem:v8+s10+$0x0] =	vst.idx.msk $0xffff, v6;
	s20 =	sshll.u32 @!p0 s19, $0x7;
	s21 =	simm.s32 @!p0 $0x5C00  }
0x6b: {  	[tilespmem:v7+s10+$0x0] =	vst.idx.msk $0xffff, v5;
	s22 =	simm.s32 @!p0 $0x7A1400;
	s23 =	simm.s32 @!p0 $0x400;
	s20 =	sadd.s32 @!p0 s1, s20  }
0x6c: {  	[tilespmem:s23], [sflag:$0x1] =	stream.strided.gather @!p0 [hbm4b:s20+s21], $0x17000, s22, s21, $0x38;
	[tilespmem:$0x1F400] =	vst v63  }
0x6d: {  	s20 =	simm.s32 @!p0 $0x1  }
0x6e: {  	_ =	swait.ge @!p0 [sflag:s20], $0x17000  }
0x6f: {  	p1 =	sgt.s32 s18, $0xB7F;
	(v2sf) =	vpush v4, $0x4  }
0x70: {  	s14 =	smov.u32 @p1 s19  }
0x71: {  	s24 =	sshll.u32 s14, $0x7  }
0x72: {  	s17 =	ssub.s32 s31, s24  }
0x73: {  	v5 =	vmov s17  }
0x74: {  	v25 =	vshll.u32 v5, $0x3  }
0x75: {  	v5 =	vand.u32 $0x7F, v5;
	v6 =	vand.u32 $0xFFFFFC00, v25  }
0x76: {  	v5 =	vor.u32 v5, v6  }
0x77: {  	s25 =	sadd.s32 $0xFFFFFFF4, s15;
	v6 =	vadd.s32 v0, v5  }
0x78: {  	v26 =	vmov s25;
	v5 =	vadd.s32 v1, v5  }
0x79: {  	v27 =	vshll.u32 v26, $0x3  }
0x7a: {  	v8 =	vand.u32 $0x1C00, v27;
	v7 =	vand.u32 $0x73, v26;
	[sflag:s20] =	ssyncset.done @!p0 $0x0  }
0x7b: {  	v7 =	vor.u32 v7, v8;
	[sflag:s20] =	ssyncadd.s32 @!p0 $0xFFFE9000  }
0x7c: {  	v8 =	vor.u32 v2, v7;
	v6 =	vld.idx.msk [tilespmem:v6+s8+$0x0], $0xffff  }
0x7d: {  	v7 =	vor.u32 v3, v7;
	v5 =	vld.idx.msk [tilespmem:v5+s8+$0x0], $0xffff  }
0x7e: {  	s26 =	spop (v2sf)  }
0x7f: {  	s18 =	ssub.s32 s26, s24;
	s28 =	sshrl.u32 s26, $0x7  }
0x80: {  	p0 =	slt.s32 s18, $0xB80;
	s19 =	smin.u32 s28, $0x1E6E  }
0x81: {  	[tilespmem:v8+s10+$0x0] =	vst.idx.msk $0xffff, v6;
	s20 =	sshll.u32 @!p0 s19, $0x7;
	s21 =	simm.s32 @!p0 $0x5C00  }
0x82: {  	[tilespmem:v7+s10+$0x0] =	vst.idx.msk $0xffff, v5;
	s22 =	simm.s32 @!p0 $0x7A1400;
	s23 =	simm.s32 @!p0 $0x400;
	s20 =	sadd.s32 @!p0 s1, s20  }
0x83: {  	[tilespmem:s23], [sflag:$0x1] =	stream.strided.gather @!p0 [hbm4b:s20+s21], $0x17000, s22, s21, $0x38;
	[tilespmem:$0x1F400] =	vst v63  }
0x84: {  	s20 =	simm.s32 @!p0 $0x1  }
0x85: {  	_ =	swait.ge @!p0 [sflag:s20], $0x17000  }
0x86: {  	p1 =	sgt.s32 s18, $0xB7F;
	(v2sf) =	vpush v4, $0x5  }
0x87: {  	s14 =	smov.u32 @p1 s19  }
0x88: {  	s29 =	sshll.u32 s14, $0x7  }
0x89: {  	s17 =	ssub.s32 s26, s29  }
0x8a: {  	v5 =	vmov s17  }
0x8b: {  	v28 =	vshll.u32 v5, $0x3  }
0x8c: {  	v5 =	vand.u32 $0x7F, v5;
	v6 =	vand.u32 $0xFFFFFC00, v28  }
0x8d: {  	v5 =	vor.u32 v5, v6  }
0x8e: {  	s30 =	sadd.s32 $0xFFFFFFF5, s15;
	v6 =	vadd.s32 v0, v5  }
0x8f: {  	v29 =	vmov s30;
	v5 =	vadd.s32 v1, v5  }
0x90: {  	v30 =	vshll.u32 v29, $0x3  }
0x91: {  	v8 =	vand.u32 $0x1C00, v30;
	v7 =	vand.u32 $0x74, v29;
	[sflag:s20] =	ssyncset.done @!p0 $0x0  }
0x92: {  	v7 =	vor.u32 v7, v8;
	[sflag:s20] =	ssyncadd.s32 @!p0 $0xFFFE9000  }
0x93: {  	v8 =	vor.u32 v2, v7;
	v6 =	vld.idx.msk [tilespmem:v6+s8+$0x0], $0xffff  }
0x94: {  	v7 =	vor.u32 v3, v7;
	v5 =	vld.idx.msk [tilespmem:v5+s8+$0x0], $0xffff  }
0x95: {  	s31 =	spop (v2sf)  }
0x96: {  	s18 =	ssub.s32 s31, s29;
	s23 =	sshrl.u32 s31, $0x7  }
0x97: {  	p0 =	slt.s32 s18, $0xB80;
	s19 =	smin.u32 s23, $0x1E6E  }
0x98: {  	[tilespmem:v8+s10+$0x0] =	vst.idx.msk $0xffff, v6;
	s20 =	sshll.u32 @!p0 s19, $0x7;
	s21 =	simm.s32 @!p0 $0x5C00  }
0x99: {  	[tilespmem:v7+s10+$0x0] =	vst.idx.msk $0xffff, v5;
	s22 =	simm.s32 @!p0 $0x7A1400;
	s23 =	simm.s32 @!p0 $0x400;
	s20 =	sadd.s32 @!p0 s1, s20  }
0x9a: {  	[tilespmem:s23], [sflag:$0x1] =	stream.strided.gather @!p0 [hbm4b:s20+s21], $0x17000, s22, s21, $0x38;
	[tilespmem:$0x1F400] =	vst v63  }
0x9b: {  	s20 =	simm.s32 @!p0 $0x1  }
0x9c: {  	_ =	swait.ge @!p0 [sflag:s20], $0x17000  }
0x9d: {  	p1 =	sgt.s32 s18, $0xB7F;
	(v2sf) =	vpush v4, $0x6  }
0x9e: {  	s14 =	smov.u32 @p1 s19  }
0x9f: {  	s24 =	sshll.u32 s14, $0x7  }
0xa0: {  	s17 =	ssub.s32 s31, s24  }
0xa1: {  	v5 =	vmov s17  }
0xa2: {  	v31 =	vshll.u32 v5, $0x3  }
0xa3: {  	v5 =	vand.u32 $0x7F, v5;
	v6 =	vand.u32 $0xFFFFFC00, v31  }
0xa4: {  	v5 =	vor.u32 v5, v6  }
0xa5: {  	s25 =	sadd.s32 $0xFFFFFFF6, s15;
	v6 =	vadd.s32 v0, v5  }
0xa6: {  	v32 =	vmov s25;
	v5 =	vadd.s32 v1, v5  }
0xa7: {  	v33 =	vshll.u32 v32, $0x3  }
0xa8: {  	v8 =	vand.u32 $0x1C00, v33;
	v7 =	vand.u32 $0x75, v32;
	[sflag:s20] =	ssyncset.done @!p0 $0x0  }
0xa9: {  	v7 =	vor.u32 v7, v8;
	[sflag:s20] =	ssyncadd.s32 @!p0 $0xFFFE9000  }
0xaa: {  	v8 =	vor.u32 v2, v7;
	v6 =	vld.idx.msk [tilespmem:v6+s8+$0x0], $0xffff  }
0xab: {  	v7 =	vor.u32 v3, v7;
	v5 =	vld.idx.msk [tilespmem:v5+s8+$0x0], $0xffff  }
0xac: {  	s26 =	spop (v2sf)  }
0xad: {  	s18 =	ssub.s32 s26, s24;
	s28 =	sshrl.u32 s26, $0x7  }
0xae: {  	p0 =	slt.s32 s18, $0xB80;
	s19 =	smin.u32 s28, $0x1E6E  }
0xaf: {  	[tilespmem:v8+s10+$0x0] =	vst.idx.msk $0xffff, v6;
	s20 =	sshll.u32 @!p0 s19, $0x7;
	s21 =	simm.s32 @!p0 $0x5C00  }
0xb0: {  	[tilespmem:v7+s10+$0x0] =	vst.idx.msk $0xffff, v5;
	s22 =	simm.s32 @!p0 $0x7A1400;
	s23 =	simm.s32 @!p0 $0x400;
	s20 =	sadd.s32 @!p0 s1, s20  }
0xb1: {  	[tilespmem:s23], [sflag:$0x1] =	stream.strided.gather @!p0 [hbm4b:s20+s21], $0x17000, s22, s21, $0x38;
	[tilespmem:$0x1F400] =	vst v63  }
0xb2: {  	s20 =	simm.s32 @!p0 $0x1  }
0xb3: {  	_ =	swait.ge @!p0 [sflag:s20], $0x17000  }
0xb4: {  	p1 =	sgt.s32 s18, $0xB7F;
	(v2sf) =	vpush v4, $0x7  }
0xb5: {  	s14 =	smov.u32 @p1 s19  }
0xb6: {  	s29 =	sshll.u32 s14, $0x7  }
0xb7: {  	s17 =	ssub.s32 s26, s29  }
0xb8: {  	v5 =	vmov s17  }
0xb9: {  	v34 =	vshll.u32 v5, $0x3  }
0xba: {  	v5 =	vand.u32 $0x7F, v5;
	v6 =	vand.u32 $0xFFFFFC00, v34  }
0xbb: {  	v5 =	vor.u32 v5, v6  }
0xbc: {  	s30 =	sadd.s32 $0xFFFFFFF7, s15;
	v6 =	vadd.s32 v0, v5  }
0xbd: {  	v35 =	vmov s30;
	v5 =	vadd.s32 v1, v5  }
0xbe: {  	v36 =	vshll.u32 v35, $0x3  }
0xbf: {  	v8 =	vand.u32 $0x1C00, v36;
	v7 =	vand.u32 $0x76, v35;
	[sflag:s20] =	ssyncset.done @!p0 $0x0  }
0xc0: {  	v7 =	vor.u32 v7, v8;
	[sflag:s20] =	ssyncadd.s32 @!p0 $0xFFFE9000  }
0xc1: {  	v8 =	vor.u32 v2, v7;
	v6 =	vld.idx.msk [tilespmem:v6+s8+$0x0], $0xffff  }
0xc2: {  	v7 =	vor.u32 v3, v7;
	v5 =	vld.idx.msk [tilespmem:v5+s8+$0x0], $0xffff  }
0xc3: {  	s31 =	spop (v2sf)  }
0xc4: {  	s18 =	ssub.s32 s31, s29;
	s23 =	sshrl.u32 s31, $0x7  }
0xc5: {  	p0 =	slt.s32 s18, $0xB80;
	s19 =	smin.u32 s23, $0x1E6E  }
0xc6: {  	[tilespmem:v8+s10+$0x0] =	vst.idx.msk $0xffff, v6;
	s20 =	sshll.u32 @!p0 s19, $0x7;
	s21 =	simm.s32 @!p0 $0x5C00  }
0xc7: {  	[tilespmem:v7+s10+$0x0] =	vst.idx.msk $0xffff, v5;
	s22 =	simm.s32 @!p0 $0x7A1400;
	s23 =	simm.s32 @!p0 $0x400;
	s20 =	sadd.s32 @!p0 s1, s20  }
0xc8: {  	[tilespmem:s23], [sflag:$0x1] =	stream.strided.gather @!p0 [hbm4b:s20+s21], $0x17000, s22, s21, $0x38;
	[tilespmem:$0x1F400] =	vst v63  }
0xc9: {  	s20 =	simm.s32 @!p0 $0x1  }
0xca: {  	_ =	swait.ge @!p0 [sflag:s20], $0x17000  }
0xcb: {  	p1 =	sgt.s32 s18, $0xB7F;
	(v2sf) =	vpush v4, $0x8  }
0xcc: {  	s14 =	smov.u32 @p1 s19  }
0xcd: {  	s24 =	sshll.u32 s14, $0x7  }
0xce: {  	s17 =	ssub.s32 s31, s24  }
0xcf: {  	v5 =	vmov s17  }
0xd0: {  	v37 =	vshll.u32 v5, $0x3  }
0xd1: {  	v5 =	vand.u32 $0x7F, v5;
	v6 =	vand.u32 $0xFFFFFC00, v37  }
0xd2: {  	v5 =	vor.u32 v5, v6  }
0xd3: {  	s25 =	sadd.s32 $0xFFFFFFF8, s15;
	v6 =	vadd.s32 v0, v5  }
0xd4: {  	v38 =	vmov s25;
	v5 =	vadd.s32 v1, v5  }
0xd5: {  	v39 =	vshll.u32 v38, $0x3  }
0xd6: {  	v8 =	vand.u32 $0x1C00, v39;
	v7 =	vand.u32 $0x77, v38;
	[sflag:s20] =	ssyncset.done @!p0 $0x0  }
0xd7: {  	v7 =	vor.u32 v7, v8;
	[sflag:s20] =	ssyncadd.s32 @!p0 $0xFFFE9000  }
0xd8: {  	v8 =	vor.u32 v2, v7;
	v6 =	vld.idx.msk [tilespmem:v6+s8+$0x0], $0xffff  }
0xd9: {  	v7 =	vor.u32 v3, v7;
	v5 =	vld.idx.msk [tilespmem:v5+s8+$0x0], $0xffff  }
0xda: {  	s26 =	spop (v2sf)  }
0xdb: {  	s18 =	ssub.s32 s26, s24;
	s28 =	sshrl.u32 s26, $0x7  }
0xdc: {  	p0 =	slt.s32 s18, $0xB80;
	s19 =	smin.u32 s28, $0x1E6E  }
0xdd: {  	[tilespmem:v8+s10+$0x0] =	vst.idx.msk $0xffff, v6;
	s20 =	sshll.u32 @!p0 s19, $0x7;
	s21 =	simm.s32 @!p0 $0x5C00  }
0xde: {  	[tilespmem:v7+s10+$0x0] =	vst.idx.msk $0xffff, v5;
	s22 =	simm.s32 @!p0 $0x7A1400;
	s23 =	simm.s32 @!p0 $0x400;
	s20 =	sadd.s32 @!p0 s1, s20  }
0xdf: {  	[tilespmem:s23], [sflag:$0x1] =	stream.strided.gather @!p0 [hbm4b:s20+s21], $0x17000, s22, s21, $0x38;
	[tilespmem:$0x1F400] =	vst v63  }
0xe0: {  	s20 =	simm.s32 @!p0 $0x1  }
0xe1: {  	_ =	swait.ge @!p0 [sflag:s20], $0x17000  }
0xe2: {  	p1 =	sgt.s32 s18, $0xB7F;
	(v2sf) =	vpush v4, $0x9  }
0xe3: {  	s14 =	smov.u32 @p1 s19  }
0xe4: {  	s29 =	sshll.u32 s14, $0x7  }
0xe5: {  	s17 =	ssub.s32 s26, s29  }
0xe6: {  	v5 =	vmov s17  }
0xe7: {  	v40 =	vshll.u32 v5, $0x3  }
0xe8: {  	v5 =	vand.u32 $0x7F, v5;
	v6 =	vand.u32 $0xFFFFFC00, v40  }
0xe9: {  	v5 =	vor.u32 v5, v6  }
0xea: {  	s30 =	sadd.s32 $0xFFFFFFF9, s15;
	v6 =	vadd.s32 v0, v5  }
0xeb: {  	v41 =	vmov s30;
	v5 =	vadd.s32 v1, v5  }
0xec: {  	v42 =	vshll.u32 v41, $0x3  }
0xed: {  	v8 =	vand.u32 $0x1C00, v42;
	v7 =	vand.u32 $0x78, v41;
	[sflag:s20] =	ssyncset.done @!p0 $0x0  }
0xee: {  	v7 =	vor.u32 v7, v8;
	[sflag:s20] =	ssyncadd.s32 @!p0 $0xFFFE9000  }
0xef: {  	v8 =	vor.u32 v2, v7;
	v6 =	vld.idx.msk [tilespmem:v6+s8+$0x0], $0xffff  }
0xf0: {  	v7 =	vor.u32 v3, v7;
	v5 =	vld.idx.msk [tilespmem:v5+s8+$0x0], $0xffff  }
0xf1: {  	s31 =	spop (v2sf)  }
0xf2: {  	s18 =	ssub.s32 s31, s29;
	s23 =	sshrl.u32 s31, $0x7  }
0xf3: {  	p0 =	slt.s32 s18, $0xB80;
	s19 =	smin.u32 s23, $0x1E6E  }
0xf4: {  	[tilespmem:v8+s10+$0x0] =	vst.idx.msk $0xffff, v6;
	s20 =	sshll.u32 @!p0 s19, $0x7;
	s21 =	simm.s32 @!p0 $0x5C00  }
0xf5: {  	[tilespmem:v7+s10+$0x0] =	vst.idx.msk $0xffff, v5;
	s22 =	simm.s32 @!p0 $0x7A1400;
	s23 =	simm.s32 @!p0 $0x400;
	s20 =	sadd.s32 @!p0 s1, s20  }
0xf6: {  	[tilespmem:s23], [sflag:$0x1] =	stream.strided.gather @!p0 [hbm4b:s20+s21], $0x17000, s22, s21, $0x38;
	[tilespmem:$0x1F400] =	vst v63  }
0xf7: {  	s20 =	simm.s32 @!p0 $0x1  }
0xf8: {  	_ =	swait.ge @!p0 [sflag:s20], $0x17000  }
0xf9: {  	p1 =	sgt.s32 s18, $0xB7F;
	(v2sf) =	vpush v4, $0xA  }
0xfa: {  	s14 =	smov.u32 @p1 s19  }
0xfb: {  	s24 =	sshll.u32 s14, $0x7  }
0xfc: {  	s17 =	ssub.s32 s31, s24  }
0xfd: {  	v5 =	vmov s17  }
0xfe: {  	v43 =	vshll.u32 v5, $0x3  }
0xff: {  	v5 =	vand.u32 $0x7F, v5;
	v6 =	vand.u32 $0xFFFFFC00, v43  }
0x100: {  	v5 =	vor.u32 v5, v6  }
0x101: {  	s25 =	sadd.s32 $0xFFFFFFFA, s15;
	v6 =	vadd.s32 v0, v5  }
0x102: {  	v44 =	vmov s25;
	v5 =	vadd.s32 v1, v5  }
0x103: {  	v45 =	vshll.u32 v44, $0x3  }
0x104: {  	v8 =	vand.u32 $0x1C00, v45;
	v7 =	vand.u32 $0x79, v44;
	[sflag:s20] =	ssyncset.done @!p0 $0x0  }
0x105: {  	v7 =	vor.u32 v7, v8;
	[sflag:s20] =	ssyncadd.s32 @!p0 $0xFFFE9000  }
0x106: {  	v8 =	vor.u32 v2, v7;
	v6 =	vld.idx.msk [tilespmem:v6+s8+$0x0], $0xffff  }
0x107: {  	v7 =	vor.u32 v3, v7;
	v5 =	vld.idx.msk [tilespmem:v5+s8+$0x0], $0xffff  }
0x108: {  	s26 =	spop (v2sf)  }
0x109: {  	s18 =	ssub.s32 s26, s24;
	s28 =	sshrl.u32 s26, $0x7  }
0x10a: {  	p0 =	slt.s32 s18, $0xB80;
	s19 =	smin.u32 s28, $0x1E6E  }
0x10b: {  	[tilespmem:v8+s10+$0x0] =	vst.idx.msk $0xffff, v6;
	s20 =	sshll.u32 @!p0 s19, $0x7;
	s21 =	simm.s32 @!p0 $0x5C00  }
0x10c: {  	[tilespmem:v7+s10+$0x0] =	vst.idx.msk $0xffff, v5;
	s22 =	simm.s32 @!p0 $0x7A1400;
	s23 =	simm.s32 @!p0 $0x400;
	s20 =	sadd.s32 @!p0 s1, s20  }
0x10d: {  	[tilespmem:s23], [sflag:$0x1] =	stream.strided.gather @!p0 [hbm4b:s20+s21], $0x17000, s22, s21, $0x38;
	[tilespmem:$0x1F400] =	vst v63  }
0x10e: {  	s20 =	simm.s32 @!p0 $0x1  }
0x10f: {  	_ =	swait.ge @!p0 [sflag:s20], $0x17000  }
0x110: {  	p1 =	sgt.s32 s18, $0xB7F;
	(v2sf) =	vpush v4, $0xB  }
0x111: {  	s14 =	smov.u32 @p1 s19  }
0x112: {  	s29 =	sshll.u32 s14, $0x7  }
0x113: {  	s17 =	ssub.s32 s26, s29  }
0x114: {  	v5 =	vmov s17  }
0x115: {  	v46 =	vshll.u32 v5, $0x3  }
0x116: {  	v5 =	vand.u32 $0x7F, v5;
	v6 =	vand.u32 $0xFFFFFC00, v46  }
0x117: {  	v5 =	vor.u32 v5, v6  }
0x118: {  	s30 =	sadd.s32 $0xFFFFFFFB, s15;
	v6 =	vadd.s32 v0, v5  }
0x119: {  	v47 =	vmov s30;
	v5 =	vadd.s32 v1, v5  }
0x11a: {  	v48 =	vshll.u32 v47, $0x3  }
0x11b: {  	v8 =	vand.u32 $0x1C00, v48;
	v7 =	vand.u32 $0x7A, v47;
	[sflag:s20] =	ssyncset.done @!p0 $0x0  }
0x11c: {  	v7 =	vor.u32 v7, v8;
	[sflag:s20] =	ssyncadd.s32 @!p0 $0xFFFE9000  }
0x11d: {  	v8 =	vor.u32 v2, v7;
	v6 =	vld.idx.msk [tilespmem:v6+s8+$0x0], $0xffff  }
0x11e: {  	v7 =	vor.u32 v3, v7;
	v5 =	vld.idx.msk [tilespmem:v5+s8+$0x0], $0xffff  }
0x11f: {  	s31 =	spop (v2sf)  }
0x120: {  	s18 =	ssub.s32 s31, s29;
	s23 =	sshrl.u32 s31, $0x7  }
0x121: {  	p0 =	slt.s32 s18, $0xB80;
	s19 =	smin.u32 s23, $0x1E6E  }
0x122: {  	[tilespmem:v8+s10+$0x0] =	vst.idx.msk $0xffff, v6;
	s20 =	sshll.u32 @!p0 s19, $0x7;
	s21 =	simm.s32 @!p0 $0x5C00  }
0x123: {  	[tilespmem:v7+s10+$0x0] =	vst.idx.msk $0xffff, v5;
	s22 =	simm.s32 @!p0 $0x7A1400;
	s23 =	simm.s32 @!p0 $0x400;
	s20 =	sadd.s32 @!p0 s1, s20  }
0x124: {  	[tilespmem:s23], [sflag:$0x1] =	stream.strided.gather @!p0 [hbm4b:s20+s21], $0x17000, s22, s21, $0x38;
	[tilespmem:$0x1F400] =	vst v63  }
0x125: {  	s20 =	simm.s32 @!p0 $0x1  }
0x126: {  	_ =	swait.ge @!p0 [sflag:s20], $0x17000  }
0x127: {  	p1 =	sgt.s32 s18, $0xB7F;
	(v2sf) =	vpush v4, $0xC  }
0x128: {  	s14 =	smov.u32 @p1 s19  }
0x129: {  	s24 =	sshll.u32 s14, $0x7  }
0x12a: {  	s17 =	ssub.s32 s31, s24  }
0x12b: {  	v5 =	vmov s17  }
0x12c: {  	v49 =	vshll.u32 v5, $0x3  }
0x12d: {  	v5 =	vand.u32 $0x7F, v5;
	v6 =	vand.u32 $0xFFFFFC00, v49  }
0x12e: {  	v5 =	vor.u32 v5, v6  }
0x12f: {  	s25 =	sadd.s32 $0xFFFFFFFC, s15;
	v6 =	vadd.s32 v0, v5  }
0x130: {  	v50 =	vmov s25;
	v5 =	vadd.s32 v1, v5  }
0x131: {  	v51 =	vshll.u32 v50, $0x3  }
0x132: {  	v8 =	vand.u32 $0x1C00, v51;
	v7 =	vand.u32 $0x7B, v50;
	[sflag:s20] =	ssyncset.done @!p0 $0x0  }
0x133: {  	v7 =	vor.u32 v7, v8;
	[sflag:s20] =	ssyncadd.s32 @!p0 $0xFFFE9000  }
0x134: {  	v8 =	vor.u32 v2, v7;
	v6 =	vld.idx.msk [tilespmem:v6+s8+$0x0], $0xffff  }
0x135: {  	v7 =	vor.u32 v3, v7;
	v5 =	vld.idx.msk [tilespmem:v5+s8+$0x0], $0xffff  }
0x136: {  	s26 =	spop (v2sf)  }
0x137: {  	s18 =	ssub.s32 s26, s24;
	s28 =	sshrl.u32 s26, $0x7  }
0x138: {  	p0 =	slt.s32 s18, $0xB80;
	s19 =	smin.u32 s28, $0x1E6E  }
0x139: {  	[tilespmem:v8+s10+$0x0] =	vst.idx.msk $0xffff, v6;
	s20 =	sshll.u32 @!p0 s19, $0x7;
	s21 =	simm.s32 @!p0 $0x5C00  }
0x13a: {  	[tilespmem:v7+s10+$0x0] =	vst.idx.msk $0xffff, v5;
	s22 =	simm.s32 @!p0 $0x7A1400;
	s23 =	simm.s32 @!p0 $0x400;
	s20 =	sadd.s32 @!p0 s1, s20  }
0x13b: {  	[tilespmem:s23], [sflag:$0x1] =	stream.strided.gather @!p0 [hbm4b:s20+s21], $0x17000, s22, s21, $0x38;
	[tilespmem:$0x1F400] =	vst v63  }
0x13c: {  	s20 =	simm.s32 @!p0 $0x1  }
0x13d: {  	_ =	swait.ge @!p0 [sflag:s20], $0x17000  }
0x13e: {  	p1 =	sgt.s32 s18, $0xB7F;
	(v2sf) =	vpush v4, $0xD  }
0x13f: {  	s14 =	smov.u32 @p1 s19  }
0x140: {  	s29 =	sshll.u32 s14, $0x7  }
0x141: {  	s17 =	ssub.s32 s26, s29  }
0x142: {  	v5 =	vmov s17  }
0x143: {  	v52 =	vshll.u32 v5, $0x3  }
0x144: {  	v5 =	vand.u32 $0x7F, v5;
	v6 =	vand.u32 $0xFFFFFC00, v52  }
0x145: {  	v5 =	vor.u32 v5, v6  }
0x146: {  	s30 =	sadd.s32 $0xFFFFFFFD, s15;
	v6 =	vadd.s32 v0, v5  }
0x147: {  	v53 =	vmov s30;
	v5 =	vadd.s32 v1, v5  }
0x148: {  	v54 =	vshll.u32 v53, $0x3  }
0x149: {  	v8 =	vand.u32 $0x1C00, v54;
	v7 =	vand.u32 $0x7C, v53;
	[sflag:s20] =	ssyncset.done @!p0 $0x0  }
0x14a: {  	v7 =	vor.u32 v7, v8;
	[sflag:s20] =	ssyncadd.s32 @!p0 $0xFFFE9000  }
0x14b: {  	v8 =	vor.u32 v2, v7;
	v6 =	vld.idx.msk [tilespmem:v6+s8+$0x0], $0xffff  }
0x14c: {  	v7 =	vor.u32 v3, v7;
	v5 =	vld.idx.msk [tilespmem:v5+s8+$0x0], $0xffff  }
0x14d: {  	s31 =	spop (v2sf)  }
0x14e: {  	s18 =	ssub.s32 s31, s29;
	s21 =	sshrl.u32 s31, $0x7  }
0x14f: {  	p0 =	slt.s32 s18, $0xB80;
	s19 =	smin.u32 s21, $0x1E6E  }
0x150: {  	[tilespmem:v8+s10+$0x0] =	vst.idx.msk $0xffff, v6;
	s20 =	sshll.u32 @!p0 s19, $0x7;
	s21 =	simm.s32 @!p0 $0x5C00  }
0x151: {  	[tilespmem:v7+s10+$0x0] =	vst.idx.msk $0xffff, v5;
	s22 =	simm.s32 @!p0 $0x7A1400;
	s23 =	simm.s32 @!p0 $0x400;
	s20 =	sadd.s32 @!p0 s1, s20  }
0x152: {  	[tilespmem:s23], [sflag:$0x1] =	stream.strided.gather @!p0 [hbm4b:s20+s21], $0x17000, s22, s21, $0x38;
	[tilespmem:$0x1F400] =	vst v63  }
0x153: {  	s20 =	simm.s32 @!p0 $0x1  }
0x154: {  	_ =	swait.ge @!p0 [sflag:s20], $0x17000  }
0x155: {  	p1 =	sgt.s32 s18, $0xB7F;
	(v2sf) =	vpush v4, $0xE  }
0x156: {  	s14 =	smov.u32 @p1 s19  }
0x157: {  	s22 =	sshll.u32 s14, $0x7  }
0x158: {  	s17 =	ssub.s32 s31, s22  }
0x159: {  	v5 =	vmov s17  }
0x15a: {  	v55 =	vshll.u32 v5, $0x3  }
0x15b: {  	v5 =	vand.u32 $0x7F, v5;
	v6 =	vand.u32 $0xFFFFFC00, v55  }
0x15c: {  	v5 =	vor.u32 v5, v6  }
0x15d: {  	s23 =	sadd.s32 $0xFFFFFFFE, s15;
	v6 =	vadd.s32 v0, v5  }
0x15e: {  	v56 =	vmov s23;
	v5 =	vadd.s32 v1, v5  }
0x15f: {  	v57 =	vshll.u32 v56, $0x3  }
0x160: {  	[sflag:s20] =	ssyncset.done @!p0 $0x0;
	v7 =	vand.u32 $0x7D, v56;
	v8 =	vand.u32 $0x1C00, v57  }
0x161: {  	[sflag:s20] =	ssyncadd.s32 @!p0 $0xFFFE9000;
	v7 =	vor.u32 v7, v8  }
0x162: {  	v8 =	vor.u32 v2, v7;
	v6 =	vld.idx.msk [tilespmem:v6+s8+$0x0], $0xffff  }
0x163: {  	v7 =	vor.u32 v3, v7;
	v5 =	vld.idx.msk [tilespmem:v5+s8+$0x0], $0xffff  }
0x164: {  	s24 =	spop (v2sf)  }
0x165: {  	s18 =	ssub.s32 s24, s22;
	s25 =	sshrl.u32 s24, $0x7  }
0x166: {  	p0 =	slt.s32 s18, $0xB80;
	s19 =	smin.u32 s25, $0x1E6E  }
0x167: {  	[tilespmem:v8+s10+$0x0] =	vst.idx.msk $0xffff, v6;
	s20 =	sshll.u32 @!p0 s19, $0x7;
	s21 =	simm.s32 @!p0 $0x5C00  }
0x168: {  	[tilespmem:v7+s10+$0x0] =	vst.idx.msk $0xffff, v5;
	s22 =	simm.s32 @!p0 $0x7A1400;
	s23 =	simm.s32 @!p0 $0x400;
	s20 =	sadd.s32 @!p0 s1, s20  }
0x169: {  	[tilespmem:s23], [sflag:$0x1] =	stream.strided.gather @!p0 [hbm4b:s20+s21], $0x17000, s22, s21, $0x38;
	[tilespmem:$0x1F400] =	vst v63  }
0x16a: {  	s20 =	simm.s32 @!p0 $0x1  }
0x16b: {  	_ =	swait.ge @!p0 [sflag:s20], $0x17000  }
0x16c: {  	(v2sf) =	vpush v4, $0xF;
	_ =	sdelay $0x4  }
0x16d: {  	p1 =	sgt.s32 s18, $0xB7F  }
0x16e: {  	s14 =	smov.u32 @p1 s19  }
0x16f: {  	s26 =	sshll.u32 s14, $0x7  }
0x170: {  	s17 =	ssub.s32 s24, s26  }
0x171: {  	v4 =	vmov s17  }
0x172: {  	v5 =	vshll.u32 v4, $0x3  }
0x173: {  	v4 =	vand.u32 $0x7F, v4;
	v5 =	vand.u32 $0xFFFFFC00, v5  }
0x174: {  	v4 =	vor.u32 v4, v5  }
0x175: {  	s28 =	sadd.s32 $0xFFFFFFFF, s15;
	v5 =	vadd.s32 v0, v4  }
0x176: {  	v58 =	vmov s28;
	v4 =	vadd.s32 v1, v4  }
0x177: {  	v59 =	vshll.u32 v58, $0x3;
	s29 =	spop (v2sf)  }
0x178: {  	v6 =	vand.u32 $0x7E, v58;
	v7 =	vand.u32 $0x1C00, v59;
	[sflag:s20] =	ssyncset.done @!p0 $0x0;
	s18 =	ssub.s32 s29, s26;
	s30 =	sshrl.u32 s29, $0x7  }
0x179: {  	v6 =	vor.u32 v6, v7;
	[sflag:s20] =	ssyncadd.s32 @!p0 $0xFFFE9000;
	p0 =	sgt.s32 s18, $0xB7F;
	s19 =	smin.u32 s30, $0x1E6E  }
0x17a: {  	v7 =	vor.u32 v2, v6;
	v5 =	vld.idx.msk [tilespmem:v5+s8+$0x0], $0xffff;
	s14 =	smov.u32 @p0 s19  }
0x17b: {  	v6 =	vor.u32 v3, v6;
	v4 =	vld.idx.msk [tilespmem:v4+s8+$0x0], $0xffff;
	s31 =	sshll.u32 s14, $0x7  }
0x17c: {  	s17 =	ssub.s32 s29, s31  }
0x17d: {  	v60 =	vmov s17  }
0x17e: {  	p0 =	slt.s32 s18, $0xB80;
	v9 =	vshll.u32 v60, $0x3  }
0x17f: {  	[tilespmem:v7+s10+$0x0] =	vst.idx.msk $0xffff, v5;
	s18 =	simm.s32 @!p0 $0x5C00;
	s17 =	sshll.u32 @!p0 s19, $0x7;
	v5 =	vand.u32 $0x7F, v60;
	v61 =	vand.u32 $0xFFFFFC00, v9  }
0x180: {  	[tilespmem:v6+s10+$0x0] =	vst.idx.msk $0xffff, v4;
	s20 =	simm.s32 @!p0 $0x400;
	s19 =	simm.s32 @!p0 $0x7A1400;
	s17 =	sadd.s32 @!p0 s1, s17;
	v4 =	vor.u32 v5, v61  }
0x181: {  	[tilespmem:s20], [sflag:$0x1] =	stream.strided.gather @!p0 [hbm4b:s17+s18], $0x17000, s19, s18, $0x38;
	v5 =	vadd.s32 v0, v4;
	[tilespmem:$0x1F400] =	vst v63  }
0x182: {  	v62 =	vmov s15;
	s17 =	simm.s32 @!p0 $0x1;
	v4 =	vadd.s32 v1, v4  }
0x183: {  	v63 =	vshll.u32 v62, $0x3;
	_ =	swait.ge @!p0 [sflag:s17], $0x17000  }
0x184: {  	v7 =	vand.u32 $0x1C00, v63;
	v6 =	vand.u32 $0x7F, v62;
	[sflag:s17] =	ssyncset.done @!p0 $0x0  }
0x185: {  	v6 =	vor.u32 v6, v7;
	[sflag:s17] =	ssyncadd.s32 @!p0 $0xFFFE9000  }
0x186: {  	s15 =	sadd.s32 $0x10, s15;
	v7 =	vor.u32 v2, v6;
	v5 =	vld.idx.msk [tilespmem:v5+s8+$0x0], $0xffff  }
0x187: {  	v6 =	vor.u32 v3, v6;
	p0 =	sne.s32 s15, $0x40F;
	v4 =	vld.idx.msk [tilespmem:v4+s8+$0x0], $0xffff  }
.Ltmp0:
0x188: {  	_ = 	snop;
	(pc) =	sbr.rel @p0 .LBB2_2-.Ltmp0, $3  }
0x189: {  	_ =	sdelay $0x1  }
0x18a: {  	[tilespmem:v7+s10+$0x0] =	vst.idx.msk $0xffff, v5  }
0x18b: {  	s16 =	sadd.s32 $0x10, s16;
	[tilespmem:v6+s10+$0x0] =	vst.idx.msk $0xffff, v4  }
0x18c: {  	s13 =	sadd.s32 $0x1, s13  }
0x18d: {  	p0 =	sne.s32 s13, s6  }
.Ltmp1:
0x18e: {  	_ = 	snop;
	(pc) =	sbr.rel @p0 .LBB2_1-.Ltmp1, $4  }
0x18f: {  	[hbm4b:s5+s11] =	stream.strided.scatter [tilespmem:s10], [sflag:$0x1], $0x8000, s12, s11, $0x38;
	[tilespmem:$0x1F400] =	vst v63  }
0x190: {  	_ =	swait.ge [sflag:s9], $0x8000  }
0x191: {  	[sflag:s9] =	ssyncset.done $0x0  }
0x192: {  	[sflag:s9] =	ssyncadd.s32 $0xFFFF8000  }
0x193: {  	_ =	sfence.sel $0x180000  }
0x194: {  	[bflag:$0x0] =	sbarrier.arrive $0xFFFF  }
0x195: {  	p0 =	sne.s32 s0, $0x0;
	_ =	strace $0x90000047  }
0x196: {  	s0 =	sadd.s32 @!p0 $0x100000, s2;
	[bflag:$0x2] =	sbarrier.arrive $0xFFFF  }
0x197: {  	[sflag:s0] =	ssyncadd.tile.s32 @!p0 $0x1;
	_ =	shalt  }
.Lfunc_end2:
_tile_overlayer_lowered:
.L_overlay_start_2:
0x198: {  	(tag) =	ssettag $0x2  }
0x199: {  	s0 =	rddreg [dreg:$0x0];
	s2 =	stileid.u32  }
0x19a: {  	s1 =	rddreg [dreg:$0x1];
	p0 =	sne.s32 s2, $0x0  }
0x19b: {  	s3 =	rddreg [dreg:$0x2];
	[bflag:$0x3] =	sbarrier.arrive $0xFFFF;
	s2 =	simm.s32 @!p0 $0x1C01  }
0x19c: {  	[timem:s3], [sflag:s2] =	dma.local @!p0 [hbm:s0], s1  }
0x19d: {  	s0 =	simm.s32 @!p0 $0x1  }
0x19e: {  	_ =	swait.ge @!p0 [sflag:s0], s1  }
0x19f: {  	s1 =	ssub.s32 @!p0 $0x0, s1;
	[sflag:s0] =	ssyncset.done @!p0 $0x0  }
0x1a0: {  	[sflag:s0] =	ssyncadd.s32 @!p0 s1  }
0x1a1: {  	[bflag:$0x3] =	sbarrier.arrive $0xFFFF  }
0x1a2: {  	_ =	shalt  }

</sc_bundles>
